<compile_context>
chip_gen: v7x
topology: tpu7x:2x2x1
jax: 0.10.2.dev20260603
libtpu: 0.0.44.dev20260713+nightly
codegen_flags: <defaults>
</compile_context>

<pallas_src>
import jax
import jax.numpy as jnp
from jax import lax
from jax.experimental import pallas as pl
from jax.experimental.pallas import tpu as pltpu
from jax.experimental.pallas import tpu_sc as plsc

_INFO = plsc.get_sparse_core_info()
_NC = _INFO.num_cores
_NS = _INFO.num_subcores
_NW = _NC * _NS
_L = _INFO.num_lanes

_B, _D1, _D2, _D3 = 4, 160, 160, 160
_PLANES_PER_W = (_B * _D1) // _NW
_ROWS = 80
_CPP = _D2 // _ROWS
_NCHUNK = _PLANES_PER_W * _CPP
_NBUF = 2
_LUT_SIZE = 61


def _body(labels_hbm, lut_hbm, out_hbm, lut_v, in_bufs, out_bufs,
          in_sems, out_sems):
    wid = lax.axis_index("s") * _NC + lax.axis_index("c")
    d0 = wid // (_NW // _B)
    d1_base = (wid % (_NW // _B)) * _PLANES_PER_W

    pltpu.sync_copy(lut_hbm, lut_v)

    def in_copy(g, b):
        d1 = d1_base + (g >> 1)
        r0 = (g & (_CPP - 1)) * _ROWS
        return pltpu.make_async_copy(
            labels_hbm.at[d0, d1, pl.ds(r0, _ROWS), :], in_bufs[b],
            in_sems[b])

    def out_copy(g, b):
        d1 = d1_base + (g >> 1)
        r0 = (g & (_CPP - 1)) * _ROWS
        return pltpu.make_async_copy(
            out_bufs[b], out_hbm.at[d0, d1, pl.ds(r0, _ROWS), :],
            out_sems[b])

    for b in range(_NBUF):
        in_copy(b, b).start()

    def chunk_group(gg, _):
        for b in range(_NBUF):
            g = gg * _NBUF + b
            in_copy(g, b).wait()

            @pl.when(g >= _NBUF)
            def _(b=b, g=g):
                out_copy(g - _NBUF, b).wait()

            def step(r, _, b=b):
                idxs = [in_bufs[b][r, pl.ds(c * _L, _L)]
                        for c in range(_D3 // _L)]
                vals = [plsc.load_gather(lut_v, [ix]) for ix in idxs]
                for c in range(_D3 // _L):
                    out_bufs[b][r, pl.ds(c * _L, _L)] = vals[c]
                return 0

            lax.fori_loop(0, _ROWS, step, 0, unroll=2)

            out_copy(g, b).start()

            @pl.when(g + _NBUF < _NCHUNK)
            def _(b=b, g=g):
                in_copy(g + _NBUF, b).start()

        return 0

    lax.fori_loop(0, _NCHUNK // _NBUF, chunk_group, 0)

    for g in range(_NCHUNK - _NBUF, _NCHUNK):
        out_copy(g, g % _NBUF).wait()


def kernel(labels, lut):
    run = pl.kernel(
        _body,
        out_type=jax.ShapeDtypeStruct((_B, _D1, _D2, _D3), jnp.int32),
        mesh=plsc.VectorSubcoreMesh(core_axis_name="c", subcore_axis_name="s"),
        scratch_types=[
            pltpu.VMEM((_LUT_SIZE,), jnp.int32),
            [pltpu.VMEM((_ROWS, _D3), jnp.int32) for _ in range(_NBUF)],
            [pltpu.VMEM((_ROWS, _D3), jnp.int32) for _ in range(_NBUF)],
            [pltpu.SemaphoreType.DMA for _ in range(_NBUF)],
            [pltpu.SemaphoreType.DMA for _ in range(_NBUF)],
        ],
        compiler_params=pltpu.CompilerParams(needs_layout_passes=False),
    )
    return run(labels.astype(jnp.int32), lut.astype(jnp.int32))

# --- scband reference (transcript-rebuilt; emitter-appended) ---
"""Pipeline reference for scband-convert-labels-4896262718038 (READ-ONLY COPY).

The authoritative reference and input builder live on the scoring server;
editing this copy changes nothing except your own understanding.
"""

import jax, jax.numpy as jnp
import numpy as np

SOURCE_VALUES = np.array([0,2,3,4,5,7,8,10,11,12,13,14,15,16,17,18,24,26,28,41,42,43,44,46,47,49,50,51,52,53,54,58,60], dtype=np.int32)

def get_mapping_lut(source, dest=None):
    # Build LUT of size max(source)+1 mapping source_values[i] -> dest_values[i], 0 elsewhere.
    source = np.asarray(source, dtype=np.int32)
    if dest is None:
        dest = np.arange(len(source), dtype=np.int32)
    else:
        dest = np.asarray(dest, dtype=np.int32)
    lut = np.zeros(int(source.max()) + 1, dtype=np.int32)
    lut[source] = dest
    return lut

def setup_inputs(seed: int = 0) -> dict:
    key = jax.random.key(seed)
    labels = jax.random.randint(key, (4, 160, 160, 160), 0, 61, dtype=jnp.int32)
    lut = jnp.asarray(get_mapping_lut(SOURCE_VALUES, dest=None), dtype=jnp.int32)
    return {"labels": labels, "lut": lut}

def reference(labels, lut):
    # Faithful translation of tf.gather(self.lut, tf.cast(inputs, 'int32'))
    return jnp.take(lut, labels.astype(jnp.int32), axis=0)

if __name__ == "__main__":
    import jax
    _d = setup_inputs()
    print(jax.jit(kernel)(*tuple(_d.values())))

</pallas_src>

<mosaic_0001>
#map = affine_map<(d0, d1) -> (0, 0, 0, 0)>
#map1 = affine_map<(d0, d1) -> (0)>
module attributes {stable_mosaic.version = 14 : i64} {
  func.func @_body(%arg0: i32, %arg1: i32, %arg2: memref<4x160x160x160xi32, #tpu.memory_space<hbm>>, %arg3: memref<61xi32, #tpu.memory_space<hbm>>, %arg4: memref<4x160x160x160xi32, #tpu.memory_space<hbm>>, %arg5: memref<61xi32, #tpu.memory_space<vmem>>, %arg6: memref<80x160xi32, #tpu.memory_space<vmem>>, %arg7: memref<80x160xi32, #tpu.memory_space<vmem>>, %arg8: memref<80x160xi32, #tpu.memory_space<vmem>>, %arg9: memref<80x160xi32, #tpu.memory_space<vmem>>, %arg10: memref<!tpu.dma_semaphore, #tpu.memory_space<semaphore_mem>>, %arg11: memref<!tpu.dma_semaphore, #tpu.memory_space<semaphore_mem>>, %arg12: memref<!tpu.dma_semaphore, #tpu.memory_space<semaphore_mem>>, %arg13: memref<!tpu.dma_semaphore, #tpu.memory_space<semaphore_mem>>) attributes {dimension_semantics = [#tpu.dimension_semantics<core_parallel>, #tpu.dimension_semantics<subcore_parallel>], iteration_bounds = array<i64: 2, 16>, scalar_prefetch = 0 : i64, scratch_operands = 9 : i64, tpu.core_type = #tpu.core_type<sc_vector_subcore>, window_params = [{transform_indices = #map}, {transform_indices = #map1}, {transform_indices = #map}]} {
    %mul3A = arith.constant 2 : i32
    %mul3A_0 = arith.muli %arg1, %mul3A : i32
    %add3A = arith.addi %mul3A_0, %arg0 : i32
    %jit3A = arith.constant 8 : i32
    %div3A = arith.divsi %add3A, %jit3A : i32
    %sign3A = arith.constant 0 : i32
    %sign3A_1 = arith.cmpi sgt, %add3A, %sign3A : i32
    %sign3A_2 = arith.extui %sign3A_1 : i1 to i32
    %sign3A_3 = arith.constant 0 : i32
    %sign3A_4 = arith.cmpi slt, %add3A, %sign3A_3 : i32
    %sign3A_5 = arith.extui %sign3A_4 : i1 to i32
    %sign3A_6 = arith.subi %sign3A_2, %sign3A_5 : i32
    %sign3A_7 = arith.constant 0 : i32
    %sign3A_8 = arith.cmpi sgt, %jit3A, %sign3A_7 : i32
    %sign3A_9 = arith.extui %sign3A_8 : i1 to i32
    %sign3A_10 = arith.constant 0 : i32
    %sign3A_11 = arith.cmpi slt, %jit3A, %sign3A_10 : i32
    %sign3A_12 = arith.extui %sign3A_11 : i1 to i32
    %sign3A_13 = arith.subi %sign3A_9, %sign3A_12 : i32
    %ne3A = arith.cmpi ne, %sign3A_6, %sign3A_13 : i32
    %rem3A = arith.remsi %add3A, %jit3A : i32
    %ne3A_14 = arith.constant 0 : i32
    %ne3A_15 = arith.cmpi ne, %rem3A, %ne3A_14 : i32
    %and3A = arith.andi %ne3A, %ne3A_15 : i1
    %sub3A = arith.constant 1 : i32
    %sub3A_16 = arith.subi %div3A, %sub3A : i32
    %select_n3A = arith.select %and3A, %sub3A_16, %div3A : i32
    %jit3A_17 = arith.constant 8 : i32
    %eq3A = arith.constant 0 : i32
    %eq3A_18 = arith.cmpi eq, %jit3A_17, %eq3A : i32
    %jit3A_19 = arith.constant 1 : i32
    %select_n3A_20 = arith.select %eq3A_18, %jit3A_19, %jit3A_17 : i32
    %rem3A_21 = arith.remsi %add3A, %select_n3A_20 : i32
    %ne3A_22 = arith.constant 0 : i32
    %ne3A_23 = arith.cmpi ne, %rem3A_21, %ne3A_22 : i32
    %lt3A = arith.constant 0 : i32
    %lt3A_24 = arith.cmpi slt, %rem3A_21, %lt3A : i32
    %lt3A_25 = arith.constant 0 : i32
    %lt3A_26 = arith.cmpi slt, %select_n3A_20, %lt3A_25 : i32
    %ne3A_27 = arith.xori %lt3A_24, %lt3A_26 : i1
    %and3A_28 = arith.andi %ne3A_27, %ne3A_23 : i1
    %add3A_29 = arith.addi %rem3A_21, %select_n3A_20 : i32
    %select_n3A_30 = arith.select %and3A_28, %add3A_29, %rem3A_21 : i32
    %mul3A_31 = arith.constant 20 : i32
    %mul3A_32 = arith.muli %select_n3A_30, %mul3A_31 : i32
    "tpu.region"() ({
      %run_scoped3A = tpu.sem_alloc : memref<!tpu.dma_semaphore, #tpu.memory_space<semaphore_mem>>
      tpu.enqueue_dma source(%arg3 : memref<61xi32, #tpu.memory_space<hbm>>) target(%arg5 : memref<61xi32, #tpu.memory_space<vmem>>) target_semaphore(%run_scoped3A : memref<!tpu.dma_semaphore, #tpu.memory_space<semaphore_mem>>)
      tpu.wait_dma2 semaphore(%run_scoped3A : memref<!tpu.dma_semaphore, #tpu.memory_space<semaphore_mem>>) src(%arg3 : memref<61xi32, #tpu.memory_space<hbm>>) dst(%arg5 : memref<61xi32, #tpu.memory_space<vmem>>)
      tpu.yield
    }) : () -> ()
    %add3A_33 = arith.constant 0 : i32
    %add3A_34 = arith.addi %mul3A_32, %add3A_33 : i32
    %dma_start3A = arith.constant 0 : i32
    %dma_start3A_35 = arith.constant 0 : i32
    %dma_start3A_36 = tpu.memref_slice %arg2[%select_n3A, %add3A_34, %dma_start3A, %dma_start3A_35] : memref<4x160x160x160xi32, #tpu.memory_space<hbm>> -> memref<1x1x80x160xi32, #tpu.memory_space<hbm>>
    %dma_start3A_37 = tpu.memref_squeeze %dma_start3A_36 : memref<1x1x80x160xi32, #tpu.memory_space<hbm>> -> memref<80x160xi32, #tpu.memory_space<hbm>>
    %dma_start3A_38 = arith.constant 0 : i32
    %dma_start3A_39 = arith.constant 0 : i32
    %dma_start3A_40 = tpu.memref_slice %arg2[%select_n3A, %add3A_34, %dma_start3A_38, %dma_start3A_39] : memref<4x160x160x160xi32, #tpu.memory_space<hbm>> -> memref<1x1x80x160xi32, #tpu.memory_space<hbm>>
    %dma_start3A_41 = tpu.memref_squeeze %dma_start3A_40 : memref<1x1x80x160xi32, #tpu.memory_space<hbm>> -> memref<80x160xi32, #tpu.memory_space<hbm>>
    tpu.enqueue_dma source(%dma_start3A_41 : memref<80x160xi32, #tpu.memory_space<hbm>>) target(%arg6 : memref<80x160xi32, #tpu.memory_space<vmem>>) target_semaphore(%arg10 : memref<!tpu.dma_semaphore, #tpu.memory_space<semaphore_mem>>)
    %add3A_42 = arith.constant 0 : i32
    %add3A_43 = arith.addi %mul3A_32, %add3A_42 : i32
    %dma_start3A_44 = arith.constant 80 : i32
    %dma_start3A_45 = arith.constant 0 : i32
    %dma_start3A_46 = tpu.memref_slice %arg2[%select_n3A, %add3A_43, %dma_start3A_44, %dma_start3A_45] : memref<4x160x160x160xi32, #tpu.memory_space<hbm>> -> memref<1x1x80x160xi32, #tpu.memory_space<hbm>>
    %dma_start3A_47 = tpu.memref_squeeze %dma_start3A_46 : memref<1x1x80x160xi32, #tpu.memory_space<hbm>> -> memref<80x160xi32, #tpu.memory_space<hbm>>
    %dma_start3A_48 = arith.constant 80 : i32
    %dma_start3A_49 = arith.constant 0 : i32
    %dma_start3A_50 = tpu.memref_slice %arg2[%select_n3A, %add3A_43, %dma_start3A_48, %dma_start3A_49] : memref<4x160x160x160xi32, #tpu.memory_space<hbm>> -> memref<1x1x80x160xi32, #tpu.memory_space<hbm>>
    %dma_start3A_51 = tpu.memref_squeeze %dma_start3A_50 : memref<1x1x80x160xi32, #tpu.memory_space<hbm>> -> memref<80x160xi32, #tpu.memory_space<hbm>>
    tpu.enqueue_dma source(%dma_start3A_51 : memref<80x160xi32, #tpu.memory_space<hbm>>) target(%arg7 : memref<80x160xi32, #tpu.memory_space<vmem>>) target_semaphore(%arg11 : memref<!tpu.dma_semaphore, #tpu.memory_space<semaphore_mem>>)
    %scan3A = arith.constant 0 : i32
    %scan3A_52 = arith.constant 0 : i32
    %scan3A_53 = arith.constant 20 : i32
    %scan3A_54 = arith.addi %scan3A_52, %scan3A_53 : i32
    %scan3A_55 = arith.constant 1 : i32
    %scan3A_56 = scf.for %scan3A_77 = %scan3A_52 to %scan3A_54 step %scan3A_55 iter_args(%scan3A_78 = %scan3A) -> (i32)  : i32 {
      %mul3A_79 = arith.constant 2 : i32
      %mul3A_80 = arith.muli %scan3A_77, %mul3A_79 : i32
      %add3A_81 = arith.constant 0 : i32
      %add3A_82 = arith.addi %mul3A_80, %add3A_81 : i32
      %shift_right_arithmetic3A = arith.constant 1 : i32
      %shift_right_arithmetic3A_83 = arith.shrsi %add3A_82, %shift_right_arithmetic3A : i32
      %add3A_84 = arith.addi %mul3A_32, %shift_right_arithmetic3A_83 : i32
      %and3A_85 = arith.constant 1 : i32
      %and3A_86 = arith.andi %add3A_82, %and3A_85 : i32
      %mul3A_87 = arith.constant 80 : i32
      %mul3A_88 = arith.muli %and3A_86, %mul3A_87 : i32
      %dma_wait3A_89 = arith.constant 0 : i32
      %dma_wait3A_90 = tpu.memref_slice %arg2[%select_n3A, %add3A_84, %mul3A_88, %dma_wait3A_89] : memref<4x160x160x160xi32, #tpu.memory_space<hbm>> -> memref<1x1x80x160xi32, #tpu.memory_space<hbm>>
      %dma_wait3A_91 = tpu.memref_squeeze %dma_wait3A_90 : memref<1x1x80x160xi32, #tpu.memory_space<hbm>> -> memref<80x160xi32, #tpu.memory_space<hbm>>
      %dma_wait3A_92 = arith.constant 0 : i32
      %dma_wait3A_93 = tpu.memref_slice %arg2[%select_n3A, %add3A_84, %mul3A_88, %dma_wait3A_92] : memref<4x160x160x160xi32, #tpu.memory_space<hbm>> -> memref<1x1x80x160xi32, #tpu.memory_space<hbm>>
      %dma_wait3A_94 = tpu.memref_squeeze %dma_wait3A_93 : memref<1x1x80x160xi32, #tpu.memory_space<hbm>> -> memref<80x160xi32, #tpu.memory_space<hbm>>
      tpu.wait_dma2 semaphore(%arg10 : memref<!tpu.dma_semaphore, #tpu.memory_space<semaphore_mem>>) src(%dma_wait3A_94 : memref<80x160xi32, #tpu.memory_space<hbm>>) dst(%arg6 : memref<80x160xi32, #tpu.memory_space<vmem>>)
      %ge3A = arith.constant 2 : i32
      %ge3A_95 = arith.cmpi sge, %add3A_82, %ge3A : i32
      %convert_element_type3A = arith.extui %ge3A_95 : i1 to i32
      %cond3A = arith.constant 0 : i32
      %cond3A_96 = arith.cmpi ne, %convert_element_type3A, %cond3A : i32
      scf.if %cond3A_96 {
        %sub3A_174 = arith.constant 2 : i32
        %sub3A_175 = arith.subi %add3A_82, %sub3A_174 : i32
        %shift_right_arithmetic3A_176 = arith.constant 1 : i32
        %shift_right_arithmetic3A_177 = arith.shrsi %sub3A_175, %shift_right_arithmetic3A_176 : i32
        %add3A_178 = arith.addi %mul3A_32, %shift_right_arithmetic3A_177 : i32
        %and3A_179 = arith.constant 1 : i32
        %and3A_180 = arith.andi %sub3A_175, %and3A_179 : i32
        %mul3A_181 = arith.constant 80 : i32
        %mul3A_182 = arith.muli %and3A_180, %mul3A_181 : i32
        %dma_wait3A_183 = arith.constant 0 : i32
        %dma_wait3A_184 = tpu.memref_slice %arg4[%select_n3A, %add3A_178, %mul3A_182, %dma_wait3A_183] : memref<4x160x160x160xi32, #tpu.memory_space<hbm>> -> memref<1x1x80x160xi32, #tpu.memory_space<hbm>>
        %dma_wait3A_185 = tpu.memref_squeeze %dma_wait3A_184 : memref<1x1x80x160xi32, #tpu.memory_space<hbm>> -> memref<80x160xi32, #tpu.memory_space<hbm>>
        %dma_wait3A_186 = arith.constant 0 : i32
        %dma_wait3A_187 = tpu.memref_slice %arg4[%select_n3A, %add3A_178, %mul3A_182, %dma_wait3A_186] : memref<4x160x160x160xi32, #tpu.memory_space<hbm>> -> memref<1x1x80x160xi32, #tpu.memory_space<hbm>>
        %dma_wait3A_188 = tpu.memref_squeeze %dma_wait3A_187 : memref<1x1x80x160xi32, #tpu.memory_space<hbm>> -> memref<80x160xi32, #tpu.memory_space<hbm>>
        tpu.wait_dma2 semaphore(%arg12 : memref<!tpu.dma_semaphore, #tpu.memory_space<semaphore_mem>>) src(%arg8 : memref<80x160xi32, #tpu.memory_space<vmem>>) dst(%dma_wait3A_188 : memref<80x160xi32, #tpu.memory_space<hbm>>)
      } else {
      }
      %scan3A_97 = arith.constant 0 : i32
      %scan3A_98 = arith.constant 0 : i32
      %scan3A_99 = arith.constant 80 : i32
      %scan3A_100 = arith.addi %scan3A_98, %scan3A_99 : i32
      %scan3A_101 = arith.constant 2 : i32
      %scan3A_102 = scf.for %scan3A_174 = %scan3A_98 to %scan3A_100 step %scan3A_101 iter_args(%scan3A_175 = %scan3A_97) -> (i32)  : i32 {
        %get3A = arith.index_cast %scan3A_174 : i32 to index
        %get3A_176 = arith.constant 0 : index
        %get3A_177 = tpu.vector_load %arg6[%get3A, %get3A_176] {strides = array<i32>} : memref<80x160xi32, #tpu.memory_space<vmem>>, vector<16xi32>,
        %get3A_178 = arith.index_cast %scan3A_174 : i32 to index
        %get3A_179 = arith.constant 16 : index
        %get3A_180 = tpu.vector_load %arg6[%get3A_178, %get3A_179] {strides = array<i32>} : memref<80x160xi32, #tpu.memory_space<vmem>>, vector<16xi32>,
        %get3A_181 = arith.index_cast %scan3A_174 : i32 to index
        %get3A_182 = arith.constant 32 : index
        %get3A_183 = tpu.vector_load %arg6[%get3A_181, %get3A_182] {strides = array<i32>} : memref<80x160xi32, #tpu.memory_space<vmem>>, vector<16xi32>,
        %get3A_184 = arith.index_cast %scan3A_174 : i32 to index
        %get3A_185 = arith.constant 48 : index
        %get3A_186 = tpu.vector_load %arg6[%get3A_184, %get3A_185] {strides = array<i32>} : memref<80x160xi32, #tpu.memory_space<vmem>>, vector<16xi32>,
        %get3A_187 = arith.index_cast %scan3A_174 : i32 to index
        %get3A_188 = arith.constant 64 : index
        %get3A_189 = tpu.vector_load %arg6[%get3A_187, %get3A_188] {strides = array<i32>} : memref<80x160xi32, #tpu.memory_space<vmem>>, vector<16xi32>,
        %get3A_190 = arith.index_cast %scan3A_174 : i32 to index
        %get3A_191 = arith.constant 80 : index
        %get3A_192 = tpu.vector_load %arg6[%get3A_190, %get3A_191] {strides = array<i32>} : memref<80x160xi32, #tpu.memory_space<vmem>>, vector<16xi32>,
        %get3A_193 = arith.index_cast %scan3A_174 : i32 to index
        %get3A_194 = arith.constant 96 : index
        %get3A_195 = tpu.vector_load %arg6[%get3A_193, %get3A_194] {strides = array<i32>} : memref<80x160xi32, #tpu.memory_space<vmem>>, vector<16xi32>,
        %get3A_196 = arith.index_cast %scan3A_174 : i32 to index
        %get3A_197 = arith.constant 112 : index
        %get3A_198 = tpu.vector_load %arg6[%get3A_196, %get3A_197] {strides = array<i32>} : memref<80x160xi32, #tpu.memory_space<vmem>>, vector<16xi32>,
        %get3A_199 = arith.index_cast %scan3A_174 : i32 to index
        %get3A_200 = arith.constant 128 : index
        %get3A_201 = tpu.vector_load %arg6[%get3A_199, %get3A_200] {strides = array<i32>} : memref<80x160xi32, #tpu.memory_space<vmem>>, vector<16xi32>,
        %get3A_202 = arith.index_cast %scan3A_174 : i32 to index
        %get3A_203 = arith.constant 144 : index
        %get3A_204 = tpu.vector_load %arg6[%get3A_202, %get3A_203] {strides = array<i32>} : memref<80x160xi32, #tpu.memory_space<vmem>>, vector<16xi32>,
        %gather3A = tpu.vector_load_idx %arg5[%get3A_177] : memref<61xi32, #tpu.memory_space<vmem>>[vector<16xi32>], vector<16xi32>,
        %gather3A_205 = tpu.vector_load_idx %arg5[%get3A_180] : memref<61xi32, #tpu.memory_space<vmem>>[vector<16xi32>], vector<16xi32>,
        %gather3A_206 = tpu.vector_load_idx %arg5[%get3A_183] : memref<61xi32, #tpu.memory_space<vmem>>[vector<16xi32>], vector<16xi32>,
        %gather3A_207 = tpu.vector_load_idx %arg5[%get3A_186] : memref<61xi32, #tpu.memory_space<vmem>>[vector<16xi32>], vector<16xi32>,
        %gather3A_208 = tpu.vector_load_idx %arg5[%get3A_189] : memref<61xi32, #tpu.memory_space<vmem>>[vector<16xi32>], vector<16xi32>,
        %gather3A_209 = tpu.vector_load_idx %arg5[%get3A_192] : memref<61xi32, #tpu.memory_space<vmem>>[vector<16xi32>], vector<16xi32>,
        %gather3A_210 = tpu.vector_load_idx %arg5[%get3A_195] : memref<61xi32, #tpu.memory_space<vmem>>[vector<16xi32>], vector<16xi32>,
        %gather3A_211 = tpu.vector_load_idx %arg5[%get3A_198] : memref<61xi32, #tpu.memory_space<vmem>>[vector<16xi32>], vector<16xi32>,
        %gather3A_212 = tpu.vector_load_idx %arg5[%get3A_201] : memref<61xi32, #tpu.memory_space<vmem>>[vector<16xi32>], vector<16xi32>,
        %gather3A_213 = tpu.vector_load_idx %arg5[%get3A_204] : memref<61xi32, #tpu.memory_space<vmem>>[vector<16xi32>], vector<16xi32>,
        %swap3A = arith.index_cast %scan3A_174 : i32 to index
        %swap3A_214 = arith.constant 0 : index
        %swap3A_215 = tpu.vector_load %arg8[%swap3A, %swap3A_214] {strides = array<i32>} : memref<80x160xi32, #tpu.memory_space<vmem>>, vector<16xi32>,
        tpu.vector_store %arg8[%swap3A, %swap3A_214], %gather3A {strides = array<i32>} : memref<80x160xi32, #tpu.memory_space<vmem>>, vector<16xi32>,
        %swap3A_216 = arith.index_cast %scan3A_174 : i32 to index
        %swap3A_217 = arith.constant 16 : index
        %swap3A_218 = tpu.vector_load %arg8[%swap3A_216, %swap3A_217] {strides = array<i32>} : memref<80x160xi32, #tpu.memory_space<vmem>>, vector<16xi32>,
        tpu.vector_store %arg8[%swap3A_216, %swap3A_217], %gather3A_205 {strides = array<i32>} : memref<80x160xi32, #tpu.memory_space<vmem>>, vector<16xi32>,
        %swap3A_219 = arith.index_cast %scan3A_174 : i32 to index
        %swap3A_220 = arith.constant 32 : index
        %swap3A_221 = tpu.vector_load %arg8[%swap3A_219, %swap3A_220] {strides = array<i32>} : memref<80x160xi32, #tpu.memory_space<vmem>>, vector<16xi32>,
        tpu.vector_store %arg8[%swap3A_219, %swap3A_220], %gather3A_206 {strides = array<i32>} : memref<80x160xi32, #tpu.memory_space<vmem>>, vector<16xi32>,
        %swap3A_222 = arith.index_cast %scan3A_174 : i32 to index
        %swap3A_223 = arith.constant 48 : index
        %swap3A_224 = tpu.vector_load %arg8[%swap3A_222, %swap3A_223] {strides = array<i32>} : memref<80x160xi32, #tpu.memory_space<vmem>>, vector<16xi32>,
        tpu.vector_store %arg8[%swap3A_222, %swap3A_223], %gather3A_207 {strides = array<i32>} : memref<80x160xi32, #tpu.memory_space<vmem>>, vector<16xi32>,
        %swap3A_225 = arith.index_cast %scan3A_174 : i32 to index
        %swap3A_226 = arith.constant 64 : index
        %swap3A_227 = tpu.vector_load %arg8[%swap3A_225, %swap3A_226] {strides = array<i32>} : memref<80x160xi32, #tpu.memory_space<vmem>>, vector<16xi32>,
        tpu.vector_store %arg8[%swap3A_225, %swap3A_226], %gather3A_208 {strides = array<i32>} : memref<80x160xi32, #tpu.memory_space<vmem>>, vector<16xi32>,
        %swap3A_228 = arith.index_cast %scan3A_174 : i32 to index
        %swap3A_229 = arith.constant 80 : index
        %swap3A_230 = tpu.vector_load %arg8[%swap3A_228, %swap3A_229] {strides = array<i32>} : memref<80x160xi32, #tpu.memory_space<vmem>>, vector<16xi32>,
        tpu.vector_store %arg8[%swap3A_228, %swap3A_229], %gather3A_209 {strides = array<i32>} : memref<80x160xi32, #tpu.memory_space<vmem>>, vector<16xi32>,
        %swap3A_231 = arith.index_cast %scan3A_174 : i32 to index
        %swap3A_232 = arith.constant 96 : index
        %swap3A_233 = tpu.vector_load %arg8[%swap3A_231, %swap3A_232] {strides = array<i32>} : memref<80x160xi32, #tpu.memory_space<vmem>>, vector<16xi32>,
        tpu.vector_store %arg8[%swap3A_231, %swap3A_232], %gather3A_210 {strides = array<i32>} : memref<80x160xi32, #tpu.memory_space<vmem>>, vector<16xi32>,
        %swap3A_234 = arith.index_cast %scan3A_174 : i32 to index
        %swap3A_235 = arith.constant 112 : index
        %swap3A_236 = tpu.vector_load %arg8[%swap3A_234, %swap3A_235] {strides = array<i32>} : memref<80x160xi32, #tpu.memory_space<vmem>>, vector<16xi32>,
        tpu.vector_store %arg8[%swap3A_234, %swap3A_235], %gather3A_211 {strides = array<i32>} : memref<80x160xi32, #tpu.memory_space<vmem>>, vector<16xi32>,
        %swap3A_237 = arith.index_cast %scan3A_174 : i32 to index
        %swap3A_238 = arith.constant 128 : index
        %swap3A_239 = tpu.vector_load %arg8[%swap3A_237, %swap3A_238] {strides = array<i32>} : memref<80x160xi32, #tpu.memory_space<vmem>>, vector<16xi32>,
        tpu.vector_store %arg8[%swap3A_237, %swap3A_238], %gather3A_212 {strides = array<i32>} : memref<80x160xi32, #tpu.memory_space<vmem>>, vector<16xi32>,
        %swap3A_240 = arith.index_cast %scan3A_174 : i32 to index
        %swap3A_241 = arith.constant 144 : index
        %swap3A_242 = tpu.vector_load %arg8[%swap3A_240, %swap3A_241] {strides = array<i32>} : memref<80x160xi32, #tpu.memory_space<vmem>>, vector<16xi32>,
        tpu.vector_store %arg8[%swap3A_240, %swap3A_241], %gather3A_213 {strides = array<i32>} : memref<80x160xi32, #tpu.memory_space<vmem>>, vector<16xi32>,
        %scan3A_243 = arith.constant 0 : i32
        %scan3A_244 = arith.constant 1 : i32
        %scan3A_245 = arith.addi %scan3A_174, %scan3A_244 : i32
        %get3A_246 = arith.index_cast %scan3A_245 : i32 to index
        %get3A_247 = arith.constant 0 : index
        %get3A_248 = tpu.vector_load %arg6[%get3A_246, %get3A_247] {strides = array<i32>} : memref<80x160xi32, #tpu.memory_space<vmem>>, vector<16xi32>,
        %get3A_249 = arith.index_cast %scan3A_245 : i32 to index
        %get3A_250 = arith.constant 16 : index
        %get3A_251 = tpu.vector_load %arg6[%get3A_249, %get3A_250] {strides = array<i32>} : memref<80x160xi32, #tpu.memory_space<vmem>>, vector<16xi32>,
        %get3A_252 = arith.index_cast %scan3A_245 : i32 to index
        %get3A_253 = arith.constant 32 : index
        %get3A_254 = tpu.vector_load %arg6[%get3A_252, %get3A_253] {strides = array<i32>} : memref<80x160xi32, #tpu.memory_space<vmem>>, vector<16xi32>,
        %get3A_255 = arith.index_cast %scan3A_245 : i32 to index
        %get3A_256 = arith.constant 48 : index
        %get3A_257 = tpu.vector_load %arg6[%get3A_255, %get3A_256] {strides = array<i32>} : memref<80x160xi32, #tpu.memory_space<vmem>>, vector<16xi32>,
        %get3A_258 = arith.index_cast %scan3A_245 : i32 to index
        %get3A_259 = arith.constant 64 : index
        %get3A_260 = tpu.vector_load %arg6[%get3A_258, %get3A_259] {strides = array<i32>} : memref<80x160xi32, #tpu.memory_space<vmem>>, vector<16xi32>,
        %get3A_261 = arith.index_cast %scan3A_245 : i32 to index
        %get3A_262 = arith.constant 80 : index
        %get3A_263 = tpu.vector_load %arg6[%get3A_261, %get3A_262] {strides = array<i32>} : memref<80x160xi32, #tpu.memory_space<vmem>>, vector<16xi32>,
        %get3A_264 = arith.index_cast %scan3A_245 : i32 to index
        %get3A_265 = arith.constant 96 : index
        %get3A_266 = tpu.vector_load %arg6[%get3A_264, %get3A_265] {strides = array<i32>} : memref<80x160xi32, #tpu.memory_space<vmem>>, vector<16xi32>,
        %get3A_267 = arith.index_cast %scan3A_245 : i32 to index
        %get3A_268 = arith.constant 112 : index
        %get3A_269 = tpu.vector_load %arg6[%get3A_267, %get3A_268] {strides = array<i32>} : memref<80x160xi32, #tpu.memory_space<vmem>>, vector<16xi32>,
        %get3A_270 = arith.index_cast %scan3A_245 : i32 to index
        %get3A_271 = arith.constant 128 : index
        %get3A_272 = tpu.vector_load %arg6[%get3A_270, %get3A_271] {strides = array<i32>} : memref<80x160xi32, #tpu.memory_space<vmem>>, vector<16xi32>,
        %get3A_273 = arith.index_cast %scan3A_245 : i32 to index
        %get3A_274 = arith.constant 144 : index
        %get3A_275 = tpu.vector_load %arg6[%get3A_273, %get3A_274] {strides = array<i32>} : memref<80x160xi32, #tpu.memory_space<vmem>>, vector<16xi32>,
        %gather3A_276 = tpu.vector_load_idx %arg5[%get3A_248] : memref<61xi32, #tpu.memory_space<vmem>>[vector<16xi32>], vector<16xi32>,
        %gather3A_277 = tpu.vector_load_idx %arg5[%get3A_251] : memref<61xi32, #tpu.memory_space<vmem>>[vector<16xi32>], vector<16xi32>,
        %gather3A_278 = tpu.vector_load_idx %arg5[%get3A_254] : memref<61xi32, #tpu.memory_space<vmem>>[vector<16xi32>], vector<16xi32>,
        %gather3A_279 = tpu.vector_load_idx %arg5[%get3A_257] : memref<61xi32, #tpu.memory_space<vmem>>[vector<16xi32>], vector<16xi32>,
        %gather3A_280 = tpu.vector_load_idx %arg5[%get3A_260] : memref<61xi32, #tpu.memory_space<vmem>>[vector<16xi32>], vector<16xi32>,
        %gather3A_281 = tpu.vector_load_idx %arg5[%get3A_263] : memref<61xi32, #tpu.memory_space<vmem>>[vector<16xi32>], vector<16xi32>,
        %gather3A_282 = tpu.vector_load_idx %arg5[%get3A_266] : memref<61xi32, #tpu.memory_space<vmem>>[vector<16xi32>], vector<16xi32>,
        %gather3A_283 = tpu.vector_load_idx %arg5[%get3A_269] : memref<61xi32, #tpu.memory_space<vmem>>[vector<16xi32>], vector<16xi32>,
        %gather3A_284 = tpu.vector_load_idx %arg5[%get3A_272] : memref<61xi32, #tpu.memory_space<vmem>>[vector<16xi32>], vector<16xi32>,
        %gather3A_285 = tpu.vector_load_idx %arg5[%get3A_275] : memref<61xi32, #tpu.memory_space<vmem>>[vector<16xi32>], vector<16xi32>,
        %swap3A_286 = arith.index_cast %scan3A_245 : i32 to index
        %swap3A_287 = arith.constant 0 : index
        %swap3A_288 = tpu.vector_load %arg8[%swap3A_286, %swap3A_287] {strides = array<i32>} : memref<80x160xi32, #tpu.memory_space<vmem>>, vector<16xi32>,
        tpu.vector_store %arg8[%swap3A_286, %swap3A_287], %gather3A_276 {strides = array<i32>} : memref<80x160xi32, #tpu.memory_space<vmem>>, vector<16xi32>,
        %swap3A_289 = arith.index_cast %scan3A_245 : i32 to index
        %swap3A_290 = arith.constant 16 : index
        %swap3A_291 = tpu.vector_load %arg8[%swap3A_289, %swap3A_290] {strides = array<i32>} : memref<80x160xi32, #tpu.memory_space<vmem>>, vector<16xi32>,
        tpu.vector_store %arg8[%swap3A_289, %swap3A_290], %gather3A_277 {strides = array<i32>} : memref<80x160xi32, #tpu.memory_space<vmem>>, vector<16xi32>,
        %swap3A_292 = arith.index_cast %scan3A_245 : i32 to index
        %swap3A_293 = arith.constant 32 : index
        %swap3A_294 = tpu.vector_load %arg8[%swap3A_292, %swap3A_293] {strides = array<i32>} : memref<80x160xi32, #tpu.memory_space<vmem>>, vector<16xi32>,
        tpu.vector_store %arg8[%swap3A_292, %swap3A_293], %gather3A_278 {strides = array<i32>} : memref<80x160xi32, #tpu.memory_space<vmem>>, vector<16xi32>,
        %swap3A_295 = arith.index_cast %scan3A_245 : i32 to index
        %swap3A_296 = arith.constant 48 : index
        %swap3A_297 = tpu.vector_load %arg8[%swap3A_295, %swap3A_296] {strides = array<i32>} : memref<80x160xi32, #tpu.memory_space<vmem>>, vector<16xi32>,
        tpu.vector_store %arg8[%swap3A_295, %swap3A_296], %gather3A_279 {strides = array<i32>} : memref<80x160xi32, #tpu.memory_space<vmem>>, vector<16xi32>,
        %swap3A_298 = arith.index_cast %scan3A_245 : i32 to index
        %swap3A_299 = arith.constant 64 : index
        %swap3A_300 = tpu.vector_load %arg8[%swap3A_298, %swap3A_299] {strides = array<i32>} : memref<80x160xi32, #tpu.memory_space<vmem>>, vector<16xi32>,
        tpu.vector_store %arg8[%swap3A_298, %swap3A_299], %gather3A_280 {strides = array<i32>} : memref<80x160xi32, #tpu.memory_space<vmem>>, vector<16xi32>,
        %swap3A_301 = arith.index_cast %scan3A_245 : i32 to index
        %swap3A_302 = arith.constant 80 : index
        %swap3A_303 = tpu.vector_load %arg8[%swap3A_301, %swap3A_302] {strides = array<i32>} : memref<80x160xi32, #tpu.memory_space<vmem>>, vector<16xi32>,
        tpu.vector_store %arg8[%swap3A_301, %swap3A_302], %gather3A_281 {strides = array<i32>} : memref<80x160xi32, #tpu.memory_space<vmem>>, vector<16xi32>,
        %swap3A_304 = arith.index_cast %scan3A_245 : i32 to index
        %swap3A_305 = arith.constant 96 : index
        %swap3A_306 = tpu.vector_load %arg8[%swap3A_304, %swap3A_305] {strides = array<i32>} : memref<80x160xi32, #tpu.memory_space<vmem>>, vector<16xi32>,
        tpu.vector_store %arg8[%swap3A_304, %swap3A_305], %gather3A_282 {strides = array<i32>} : memref<80x160xi32, #tpu.memory_space<vmem>>, vector<16xi32>,
        %swap3A_307 = arith.index_cast %scan3A_245 : i32 to index
        %swap3A_308 = arith.constant 112 : index
        %swap3A_309 = tpu.vector_load %arg8[%swap3A_307, %swap3A_308] {strides = array<i32>} : memref<80x160xi32, #tpu.memory_space<vmem>>, vector<16xi32>,
        tpu.vector_store %arg8[%swap3A_307, %swap3A_308], %gather3A_283 {strides = array<i32>} : memref<80x160xi32, #tpu.memory_space<vmem>>, vector<16xi32>,
        %swap3A_310 = arith.index_cast %scan3A_245 : i32 to index
        %swap3A_311 = arith.constant 128 : index
        %swap3A_312 = tpu.vector_load %arg8[%swap3A_310, %swap3A_311] {strides = array<i32>} : memref<80x160xi32, #tpu.memory_space<vmem>>, vector<16xi32>,
        tpu.vector_store %arg8[%swap3A_310, %swap3A_311], %gather3A_284 {strides = array<i32>} : memref<80x160xi32, #tpu.memory_space<vmem>>, vector<16xi32>,
        %swap3A_313 = arith.index_cast %scan3A_245 : i32 to index
        %swap3A_314 = arith.constant 144 : index
        %swap3A_315 = tpu.vector_load %arg8[%swap3A_313, %swap3A_314] {strides = array<i32>} : memref<80x160xi32, #tpu.memory_space<vmem>>, vector<16xi32>,
        tpu.vector_store %arg8[%swap3A_313, %swap3A_314], %gather3A_285 {strides = array<i32>} : memref<80x160xi32, #tpu.memory_space<vmem>>, vector<16xi32>,
        %scan3A_316 = arith.constant 0 : i32
        scf.yield %scan3A_316 : i32
      }
      %scan3A_103 = arith.constant 80 : i32
      %shift_right_arithmetic3A_104 = arith.constant 1 : i32
      %shift_right_arithmetic3A_105 = arith.shrsi %add3A_82, %shift_right_arithmetic3A_104 : i32
      %add3A_106 = arith.addi %mul3A_32, %shift_right_arithmetic3A_105 : i32
      %and3A_107 = arith.constant 1 : i32
      %and3A_108 = arith.andi %add3A_82, %and3A_107 : i32
      %mul3A_109 = arith.constant 80 : i32
      %mul3A_110 = arith.muli %and3A_108, %mul3A_109 : i32
      %dma_start3A_111 = arith.constant 0 : i32
      %dma_start3A_112 = tpu.memref_slice %arg4[%select_n3A, %add3A_106, %mul3A_110, %dma_start3A_111] : memref<4x160x160x160xi32, #tpu.memory_space<hbm>> -> memref<1x1x80x160xi32, #tpu.memory_space<hbm>>
      %dma_start3A_113 = tpu.memref_squeeze %dma_start3A_112 : memref<1x1x80x160xi32, #tpu.memory_space<hbm>> -> memref<80x160xi32, #tpu.memory_space<hbm>>
      %dma_start3A_114 = arith.constant 0 : i32
      %dma_start3A_115 = tpu.memref_slice %arg4[%select_n3A, %add3A_106, %mul3A_110, %dma_start3A_114] : memref<4x160x160x160xi32, #tpu.memory_space<hbm>> -> memref<1x1x80x160xi32, #tpu.memory_space<hbm>>
      %dma_start3A_116 = tpu.memref_squeeze %dma_start3A_115 : memref<1x1x80x160xi32, #tpu.memory_space<hbm>> -> memref<80x160xi32, #tpu.memory_space<hbm>>
      tpu.enqueue_dma source(%arg8 : memref<80x160xi32, #tpu.memory_space<vmem>>) target(%dma_start3A_116 : memref<80x160xi32, #tpu.memory_space<hbm>>) target_semaphore(%arg12 : memref<!tpu.dma_semaphore, #tpu.memory_space<semaphore_mem>>)
      %add3A_117 = arith.constant 2 : i32
      %add3A_118 = arith.addi %add3A_82, %add3A_117 : i32
      %lt3A_119 = arith.constant 40 : i32
      %lt3A_120 = arith.cmpi slt, %add3A_118, %lt3A_119 : i32
      %convert_element_type3A_121 = arith.extui %lt3A_120 : i1 to i32
      %cond3A_122 = arith.constant 0 : i32
      %cond3A_123 = arith.cmpi ne, %convert_element_type3A_121, %cond3A_122 : i32
      scf.if %cond3A_123 {
        %add3A_174 = arith.constant 2 : i32
        %add3A_175 = arith.addi %add3A_82, %add3A_174 : i32
        %shift_right_arithmetic3A_176 = arith.constant 1 : i32
        %shift_right_arithmetic3A_177 = arith.shrsi %add3A_175, %shift_right_arithmetic3A_176 : i32
        %add3A_178 = arith.addi %mul3A_32, %shift_right_arithmetic3A_177 : i32
        %and3A_179 = arith.constant 1 : i32
        %and3A_180 = arith.andi %add3A_175, %and3A_179 : i32
        %mul3A_181 = arith.constant 80 : i32
        %mul3A_182 = arith.muli %and3A_180, %mul3A_181 : i32
        %dma_start3A_183 = arith.constant 0 : i32
        %dma_start3A_184 = tpu.memref_slice %arg2[%select_n3A, %add3A_178, %mul3A_182, %dma_start3A_183] : memref<4x160x160x160xi32, #tpu.memory_space<hbm>> -> memref<1x1x80x160xi32, #tpu.memory_space<hbm>>
        %dma_start3A_185 = tpu.memref_squeeze %dma_start3A_184 : memref<1x1x80x160xi32, #tpu.memory_space<hbm>> -> memref<80x160xi32, #tpu.memory_space<hbm>>
        %dma_start3A_186 = arith.constant 0 : i32
        %dma_start3A_187 = tpu.memref_slice %arg2[%select_n3A, %add3A_178, %mul3A_182, %dma_start3A_186] : memref<4x160x160x160xi32, #tpu.memory_space<hbm>> -> memref<1x1x80x160xi32, #tpu.memory_space<hbm>>
        %dma_start3A_188 = tpu.memref_squeeze %dma_start3A_187 : memref<1x1x80x160xi32, #tpu.memory_space<hbm>> -> memref<80x160xi32, #tpu.memory_space<hbm>>
        tpu.enqueue_dma source(%dma_start3A_188 : memref<80x160xi32, #tpu.memory_space<hbm>>) target(%arg6 : memref<80x160xi32, #tpu.memory_space<vmem>>) target_semaphore(%arg10 : memref<!tpu.dma_semaphore, #tpu.memory_space<semaphore_mem>>)
      } else {
      }
      %mul3A_124 = arith.constant 2 : i32
      %mul3A_125 = arith.muli %scan3A_77, %mul3A_124 : i32
      %add3A_126 = arith.constant 1 : i32
      %add3A_127 = arith.addi %mul3A_125, %add3A_126 : i32
      %shift_right_arithmetic3A_128 = arith.constant 1 : i32
      %shift_right_arithmetic3A_129 = arith.shrsi %add3A_127, %shift_right_arithmetic3A_128 : i32
      %add3A_130 = arith.addi %mul3A_32, %shift_right_arithmetic3A_129 : i32
      %and3A_131 = arith.constant 1 : i32
      %and3A_132 = arith.andi %add3A_127, %and3A_131 : i32
      %mul3A_133 = arith.constant 80 : i32
      %mul3A_134 = arith.muli %and3A_132, %mul3A_133 : i32
      %dma_wait3A_135 = arith.constant 0 : i32
      %dma_wait3A_136 = tpu.memref_slice %arg2[%select_n3A, %add3A_130, %mul3A_134, %dma_wait3A_135] : memref<4x160x160x160xi32, #tpu.memory_space<hbm>> -> memref<1x1x80x160xi32, #tpu.memory_space<hbm>>
      %dma_wait3A_137 = tpu.memref_squeeze %dma_wait3A_136 : memref<1x1x80x160xi32, #tpu.memory_space<hbm>> -> memref<80x160xi32, #tpu.memory_space<hbm>>
      %dma_wait3A_138 = arith.constant 0 : i32
      %dma_wait3A_139 = tpu.memref_slice %arg2[%select_n3A, %add3A_130, %mul3A_134, %dma_wait3A_138] : memref<4x160x160x160xi32, #tpu.memory_space<hbm>> -> memref<1x1x80x160xi32, #tpu.memory_space<hbm>>
      %dma_wait3A_140 = tpu.memref_squeeze %dma_wait3A_139 : memref<1x1x80x160xi32, #tpu.memory_space<hbm>> -> memref<80x160xi32, #tpu.memory_space<hbm>>
      tpu.wait_dma2 semaphore(%arg11 : memref<!tpu.dma_semaphore, #tpu.memory_space<semaphore_mem>>) src(%dma_wait3A_140 : memref<80x160xi32, #tpu.memory_space<hbm>>) dst(%arg7 : memref<80x160xi32, #tpu.memory_space<vmem>>)
      %ge3A_141 = arith.constant 2 : i32
      %ge3A_142 = arith.cmpi sge, %add3A_127, %ge3A_141 : i32
      %convert_element_type3A_143 = arith.extui %ge3A_142 : i1 to i32
      %cond3A_144 = arith.constant 0 : i32
      %cond3A_145 = arith.cmpi ne, %convert_element_type3A_143, %cond3A_144 : i32
      scf.if %cond3A_145 {
        %sub3A_174 = arith.constant 2 : i32
        %sub3A_175 = arith.subi %add3A_127, %sub3A_174 : i32
        %shift_right_arithmetic3A_176 = arith.constant 1 : i32
        %shift_right_arithmetic3A_177 = arith.shrsi %sub3A_175, %shift_right_arithmetic3A_176 : i32
        %add3A_178 = arith.addi %mul3A_32, %shift_right_arithmetic3A_177 : i32
        %and3A_179 = arith.constant 1 : i32
        %and3A_180 = arith.andi %sub3A_175, %and3A_179 : i32
        %mul3A_181 = arith.constant 80 : i32
        %mul3A_182 = arith.muli %and3A_180, %mul3A_181 : i32
        %dma_wait3A_183 = arith.constant 0 : i32
        %dma_wait3A_184 = tpu.memref_slice %arg4[%select_n3A, %add3A_178, %mul3A_182, %dma_wait3A_183] : memref<4x160x160x160xi32, #tpu.memory_space<hbm>> -> memref<1x1x80x160xi32, #tpu.memory_space<hbm>>
        %dma_wait3A_185 = tpu.memref_squeeze %dma_wait3A_184 : memref<1x1x80x160xi32, #tpu.memory_space<hbm>> -> memref<80x160xi32, #tpu.memory_space<hbm>>
        %dma_wait3A_186 = arith.constant 0 : i32
        %dma_wait3A_187 = tpu.memref_slice %arg4[%select_n3A, %add3A_178, %mul3A_182, %dma_wait3A_186] : memref<4x160x160x160xi32, #tpu.memory_space<hbm>> -> memref<1x1x80x160xi32, #tpu.memory_space<hbm>>
        %dma_wait3A_188 = tpu.memref_squeeze %dma_wait3A_187 : memref<1x1x80x160xi32, #tpu.memory_space<hbm>> -> memref<80x160xi32, #tpu.memory_space<hbm>>
        tpu.wait_dma2 semaphore(%arg13 : memref<!tpu.dma_semaphore, #tpu.memory_space<semaphore_mem>>) src(%arg9 : memref<80x160xi32, #tpu.memory_space<vmem>>) dst(%dma_wait3A_188 : memref<80x160xi32, #tpu.memory_space<hbm>>)
      } else {
      }
      %scan3A_146 = arith.constant 0 : i32
      %scan3A_147 = arith.constant 0 : i32
      %scan3A_148 = arith.constant 80 : i32
      %scan3A_149 = arith.addi %scan3A_147, %scan3A_148 : i32
      %scan3A_150 = arith.constant 2 : i32
      %scan3A_151 = scf.for %scan3A_174 = %scan3A_147 to %scan3A_149 step %scan3A_150 iter_args(%scan3A_175 = %scan3A_146) -> (i32)  : i32 {
        %get3A = arith.index_cast %scan3A_174 : i32 to index
        %get3A_176 = arith.constant 0 : index
        %get3A_177 = tpu.vector_load %arg7[%get3A, %get3A_176] {strides = array<i32>} : memref<80x160xi32, #tpu.memory_space<vmem>>, vector<16xi32>,
        %get3A_178 = arith.index_cast %scan3A_174 : i32 to index
        %get3A_179 = arith.constant 16 : index
        %get3A_180 = tpu.vector_load %arg7[%get3A_178, %get3A_179] {strides = array<i32>} : memref<80x160xi32, #tpu.memory_space<vmem>>, vector<16xi32>,
        %get3A_181 = arith.index_cast %scan3A_174 : i32 to index
        %get3A_182 = arith.constant 32 : index
        %get3A_183 = tpu.vector_load %arg7[%get3A_181, %get3A_182] {strides = array<i32>} : memref<80x160xi32, #tpu.memory_space<vmem>>, vector<16xi32>,
        %get3A_184 = arith.index_cast %scan3A_174 : i32 to index
        %get3A_185 = arith.constant 48 : index
        %get3A_186 = tpu.vector_load %arg7[%get3A_184, %get3A_185] {strides = array<i32>} : memref<80x160xi32, #tpu.memory_space<vmem>>, vector<16xi32>,
        %get3A_187 = arith.index_cast %scan3A_174 : i32 to index
        %get3A_188 = arith.constant 64 : index
        %get3A_189 = tpu.vector_load %arg7[%get3A_187, %get3A_188] {strides = array<i32>} : memref<80x160xi32, #tpu.memory_space<vmem>>, vector<16xi32>,
        %get3A_190 = arith.index_cast %scan3A_174 : i32 to index
        %get3A_191 = arith.constant 80 : index
        %get3A_192 = tpu.vector_load %arg7[%get3A_190, %get3A_191] {strides = array<i32>} : memref<80x160xi32, #tpu.memory_space<vmem>>, vector<16xi32>,
        %get3A_193 = arith.index_cast %scan3A_174 : i32 to index
        %get3A_194 = arith.constant 96 : index
        %get3A_195 = tpu.vector_load %arg7[%get3A_193, %get3A_194] {strides = array<i32>} : memref<80x160xi32, #tpu.memory_space<vmem>>, vector<16xi32>,
        %get3A_196 = arith.index_cast %scan3A_174 : i32 to index
        %get3A_197 = arith.constant 112 : index
        %get3A_198 = tpu.vector_load %arg7[%get3A_196, %get3A_197] {strides = array<i32>} : memref<80x160xi32, #tpu.memory_space<vmem>>, vector<16xi32>,
        %get3A_199 = arith.index_cast %scan3A_174 : i32 to index
        %get3A_200 = arith.constant 128 : index
        %get3A_201 = tpu.vector_load %arg7[%get3A_199, %get3A_200] {strides = array<i32>} : memref<80x160xi32, #tpu.memory_space<vmem>>, vector<16xi32>,
        %get3A_202 = arith.index_cast %scan3A_174 : i32 to index
        %get3A_203 = arith.constant 144 : index
        %get3A_204 = tpu.vector_load %arg7[%get3A_202, %get3A_203] {strides = array<i32>} : memref<80x160xi32, #tpu.memory_space<vmem>>, vector<16xi32>,
        %gather3A = tpu.vector_load_idx %arg5[%get3A_177] : memref<61xi32, #tpu.memory_space<vmem>>[vector<16xi32>], vector<16xi32>,
        %gather3A_205 = tpu.vector_load_idx %arg5[%get3A_180] : memref<61xi32, #tpu.memory_space<vmem>>[vector<16xi32>], vector<16xi32>,
        %gather3A_206 = tpu.vector_load_idx %arg5[%get3A_183] : memref<61xi32, #tpu.memory_space<vmem>>[vector<16xi32>], vector<16xi32>,
        %gather3A_207 = tpu.vector_load_idx %arg5[%get3A_186] : memref<61xi32, #tpu.memory_space<vmem>>[vector<16xi32>], vector<16xi32>,
        %gather3A_208 = tpu.vector_load_idx %arg5[%get3A_189] : memref<61xi32, #tpu.memory_space<vmem>>[vector<16xi32>], vector<16xi32>,
        %gather3A_209 = tpu.vector_load_idx %arg5[%get3A_192] : memref<61xi32, #tpu.memory_space<vmem>>[vector<16xi32>], vector<16xi32>,
        %gather3A_210 = tpu.vector_load_idx %arg5[%get3A_195] : memref<61xi32, #tpu.memory_space<vmem>>[vector<16xi32>], vector<16xi32>,
        %gather3A_211 = tpu.vector_load_idx %arg5[%get3A_198] : memref<61xi32, #tpu.memory_space<vmem>>[vector<16xi32>], vector<16xi32>,
        %gather3A_212 = tpu.vector_load_idx %arg5[%get3A_201] : memref<61xi32, #tpu.memory_space<vmem>>[vector<16xi32>], vector<16xi32>,
        %gather3A_213 = tpu.vector_load_idx %arg5[%get3A_204] : memref<61xi32, #tpu.memory_space<vmem>>[vector<16xi32>], vector<16xi32>,
        %swap3A = arith.index_cast %scan3A_174 : i32 to index
        %swap3A_214 = arith.constant 0 : index
        %swap3A_215 = tpu.vector_load %arg9[%swap3A, %swap3A_214] {strides = array<i32>} : memref<80x160xi32, #tpu.memory_space<vmem>>, vector<16xi32>,
        tpu.vector_store %arg9[%swap3A, %swap3A_214], %gather3A {strides = array<i32>} : memref<80x160xi32, #tpu.memory_space<vmem>>, vector<16xi32>,
        %swap3A_216 = arith.index_cast %scan3A_174 : i32 to index
        %swap3A_217 = arith.constant 16 : index
        %swap3A_218 = tpu.vector_load %arg9[%swap3A_216, %swap3A_217] {strides = array<i32>} : memref<80x160xi32, #tpu.memory_space<vmem>>, vector<16xi32>,
        tpu.vector_store %arg9[%swap3A_216, %swap3A_217], %gather3A_205 {strides = array<i32>} : memref<80x160xi32, #tpu.memory_space<vmem>>, vector<16xi32>,
        %swap3A_219 = arith.index_cast %scan3A_174 : i32 to index
        %swap3A_220 = arith.constant 32 : index
        %swap3A_221 = tpu.vector_load %arg9[%swap3A_219, %swap3A_220] {strides = array<i32>} : memref<80x160xi32, #tpu.memory_space<vmem>>, vector<16xi32>,
        tpu.vector_store %arg9[%swap3A_219, %swap3A_220], %gather3A_206 {strides = array<i32>} : memref<80x160xi32, #tpu.memory_space<vmem>>, vector<16xi32>,
        %swap3A_222 = arith.index_cast %scan3A_174 : i32 to index
        %swap3A_223 = arith.constant 48 : index
        %swap3A_224 = tpu.vector_load %arg9[%swap3A_222, %swap3A_223] {strides = array<i32>} : memref<80x160xi32, #tpu.memory_space<vmem>>, vector<16xi32>,
        tpu.vector_store %arg9[%swap3A_222, %swap3A_223], %gather3A_207 {strides = array<i32>} : memref<80x160xi32, #tpu.memory_space<vmem>>, vector<16xi32>,
        %swap3A_225 = arith.index_cast %scan3A_174 : i32 to index
        %swap3A_226 = arith.constant 64 : index
        %swap3A_227 = tpu.vector_load %arg9[%swap3A_225, %swap3A_226] {strides = array<i32>} : memref<80x160xi32, #tpu.memory_space<vmem>>, vector<16xi32>,
        tpu.vector_store %arg9[%swap3A_225, %swap3A_226], %gather3A_208 {strides = array<i32>} : memref<80x160xi32, #tpu.memory_space<vmem>>, vector<16xi32>,
        %swap3A_228 = arith.index_cast %scan3A_174 : i32 to index
        %swap3A_229 = arith.constant 80 : index
        %swap3A_230 = tpu.vector_load %arg9[%swap3A_228, %swap3A_229] {strides = array<i32>} : memref<80x160xi32, #tpu.memory_space<vmem>>, vector<16xi32>,
        tpu.vector_store %arg9[%swap3A_228, %swap3A_229], %gather3A_209 {strides = array<i32>} : memref<80x160xi32, #tpu.memory_space<vmem>>, vector<16xi32>,
        %swap3A_231 = arith.index_cast %scan3A_174 : i32 to index
        %swap3A_232 = arith.constant 96 : index
        %swap3A_233 = tpu.vector_load %arg9[%swap3A_231, %swap3A_232] {strides = array<i32>} : memref<80x160xi32, #tpu.memory_space<vmem>>, vector<16xi32>,
        tpu.vector_store %arg9[%swap3A_231, %swap3A_232], %gather3A_210 {strides = array<i32>} : memref<80x160xi32, #tpu.memory_space<vmem>>, vector<16xi32>,
        %swap3A_234 = arith.index_cast %scan3A_174 : i32 to index
        %swap3A_235 = arith.constant 112 : index
        %swap3A_236 = tpu.vector_load %arg9[%swap3A_234, %swap3A_235] {strides = array<i32>} : memref<80x160xi32, #tpu.memory_space<vmem>>, vector<16xi32>,
        tpu.vector_store %arg9[%swap3A_234, %swap3A_235], %gather3A_211 {strides = array<i32>} : memref<80x160xi32, #tpu.memory_space<vmem>>, vector<16xi32>,
        %swap3A_237 = arith.index_cast %scan3A_174 : i32 to index
        %swap3A_238 = arith.constant 128 : index
        %swap3A_239 = tpu.vector_load %arg9[%swap3A_237, %swap3A_238] {strides = array<i32>} : memref<80x160xi32, #tpu.memory_space<vmem>>, vector<16xi32>,
        tpu.vector_store %arg9[%swap3A_237, %swap3A_238], %gather3A_212 {strides = array<i32>} : memref<80x160xi32, #tpu.memory_space<vmem>>, vector<16xi32>,
        %swap3A_240 = arith.index_cast %scan3A_174 : i32 to index
        %swap3A_241 = arith.constant 144 : index
        %swap3A_242 = tpu.vector_load %arg9[%swap3A_240, %swap3A_241] {strides = array<i32>} : memref<80x160xi32, #tpu.memory_space<vmem>>, vector<16xi32>,
        tpu.vector_store %arg9[%swap3A_240, %swap3A_241], %gather3A_213 {strides = array<i32>} : memref<80x160xi32, #tpu.memory_space<vmem>>, vector<16xi32>,
        %scan3A_243 = arith.constant 0 : i32
        %scan3A_244 = arith.constant 1 : i32
        %scan3A_245 = arith.addi %scan3A_174, %scan3A_244 : i32
        %get3A_246 = arith.index_cast %scan3A_245 : i32 to index
        %get3A_247 = arith.constant 0 : index
        %get3A_248 = tpu.vector_load %arg7[%get3A_246, %get3A_247] {strides = array<i32>} : memref<80x160xi32, #tpu.memory_space<vmem>>, vector<16xi32>,
        %get3A_249 = arith.index_cast %scan3A_245 : i32 to index
        %get3A_250 = arith.constant 16 : index
        %get3A_251 = tpu.vector_load %arg7[%get3A_249, %get3A_250] {strides = array<i32>} : memref<80x160xi32, #tpu.memory_space<vmem>>, vector<16xi32>,
        %get3A_252 = arith.index_cast %scan3A_245 : i32 to index
        %get3A_253 = arith.constant 32 : index
        %get3A_254 = tpu.vector_load %arg7[%get3A_252, %get3A_253] {strides = array<i32>} : memref<80x160xi32, #tpu.memory_space<vmem>>, vector<16xi32>,
        %get3A_255 = arith.index_cast %scan3A_245 : i32 to index
        %get3A_256 = arith.constant 48 : index
        %get3A_257 = tpu.vector_load %arg7[%get3A_255, %get3A_256] {strides = array<i32>} : memref<80x160xi32, #tpu.memory_space<vmem>>, vector<16xi32>,
        %get3A_258 = arith.index_cast %scan3A_245 : i32 to index
        %get3A_259 = arith.constant 64 : index
        %get3A_260 = tpu.vector_load %arg7[%get3A_258, %get3A_259] {strides = array<i32>} : memref<80x160xi32, #tpu.memory_space<vmem>>, vector<16xi32>,
        %get3A_261 = arith.index_cast %scan3A_245 : i32 to index
        %get3A_262 = arith.constant 80 : index
        %get3A_263 = tpu.vector_load %arg7[%get3A_261, %get3A_262] {strides = array<i32>} : memref<80x160xi32, #tpu.memory_space<vmem>>, vector<16xi32>,
        %get3A_264 = arith.index_cast %scan3A_245 : i32 to index
        %get3A_265 = arith.constant 96 : index
        %get3A_266 = tpu.vector_load %arg7[%get3A_264, %get3A_265] {strides = array<i32>} : memref<80x160xi32, #tpu.memory_space<vmem>>, vector<16xi32>,
        %get3A_267 = arith.index_cast %scan3A_245 : i32 to index
        %get3A_268 = arith.constant 112 : index
        %get3A_269 = tpu.vector_load %arg7[%get3A_267, %get3A_268] {strides = array<i32>} : memref<80x160xi32, #tpu.memory_space<vmem>>, vector<16xi32>,
        %get3A_270 = arith.index_cast %scan3A_245 : i32 to index
        %get3A_271 = arith.constant 128 : index
        %get3A_272 = tpu.vector_load %arg7[%get3A_270, %get3A_271] {strides = array<i32>} : memref<80x160xi32, #tpu.memory_space<vmem>>, vector<16xi32>,
        %get3A_273 = arith.index_cast %scan3A_245 : i32 to index
        %get3A_274 = arith.constant 144 : index
        %get3A_275 = tpu.vector_load %arg7[%get3A_273, %get3A_274] {strides = array<i32>} : memref<80x160xi32, #tpu.memory_space<vmem>>, vector<16xi32>,
        %gather3A_276 = tpu.vector_load_idx %arg5[%get3A_248] : memref<61xi32, #tpu.memory_space<vmem>>[vector<16xi32>], vector<16xi32>,
        %gather3A_277 = tpu.vector_load_idx %arg5[%get3A_251] : memref<61xi32, #tpu.memory_space<vmem>>[vector<16xi32>], vector<16xi32>,
        %gather3A_278 = tpu.vector_load_idx %arg5[%get3A_254] : memref<61xi32, #tpu.memory_space<vmem>>[vector<16xi32>], vector<16xi32>,
        %gather3A_279 = tpu.vector_load_idx %arg5[%get3A_257] : memref<61xi32, #tpu.memory_space<vmem>>[vector<16xi32>], vector<16xi32>,
        %gather3A_280 = tpu.vector_load_idx %arg5[%get3A_260] : memref<61xi32, #tpu.memory_space<vmem>>[vector<16xi32>], vector<16xi32>,
        %gather3A_281 = tpu.vector_load_idx %arg5[%get3A_263] : memref<61xi32, #tpu.memory_space<vmem>>[vector<16xi32>], vector<16xi32>,
        %gather3A_282 = tpu.vector_load_idx %arg5[%get3A_266] : memref<61xi32, #tpu.memory_space<vmem>>[vector<16xi32>], vector<16xi32>,
        %gather3A_283 = tpu.vector_load_idx %arg5[%get3A_269] : memref<61xi32, #tpu.memory_space<vmem>>[vector<16xi32>], vector<16xi32>,
        %gather3A_284 = tpu.vector_load_idx %arg5[%get3A_272] : memref<61xi32, #tpu.memory_space<vmem>>[vector<16xi32>], vector<16xi32>,
        %gather3A_285 = tpu.vector_load_idx %arg5[%get3A_275] : memref<61xi32, #tpu.memory_space<vmem>>[vector<16xi32>], vector<16xi32>,
        %swap3A_286 = arith.index_cast %scan3A_245 : i32 to index
        %swap3A_287 = arith.constant 0 : index
        %swap3A_288 = tpu.vector_load %arg9[%swap3A_286, %swap3A_287] {strides = array<i32>} : memref<80x160xi32, #tpu.memory_space<vmem>>, vector<16xi32>,
        tpu.vector_store %arg9[%swap3A_286, %swap3A_287], %gather3A_276 {strides = array<i32>} : memref<80x160xi32, #tpu.memory_space<vmem>>, vector<16xi32>,
        %swap3A_289 = arith.index_cast %scan3A_245 : i32 to index
        %swap3A_290 = arith.constant 16 : index
        %swap3A_291 = tpu.vector_load %arg9[%swap3A_289, %swap3A_290] {strides = array<i32>} : memref<80x160xi32, #tpu.memory_space<vmem>>, vector<16xi32>,
        tpu.vector_store %arg9[%swap3A_289, %swap3A_290], %gather3A_277 {strides = array<i32>} : memref<80x160xi32, #tpu.memory_space<vmem>>, vector<16xi32>,
        %swap3A_292 = arith.index_cast %scan3A_245 : i32 to index
        %swap3A_293 = arith.constant 32 : index
        %swap3A_294 = tpu.vector_load %arg9[%swap3A_292, %swap3A_293] {strides = array<i32>} : memref<80x160xi32, #tpu.memory_space<vmem>>, vector<16xi32>,
        tpu.vector_store %arg9[%swap3A_292, %swap3A_293], %gather3A_278 {strides = array<i32>} : memref<80x160xi32, #tpu.memory_space<vmem>>, vector<16xi32>,
        %swap3A_295 = arith.index_cast %scan3A_245 : i32 to index
        %swap3A_296 = arith.constant 48 : index
        %swap3A_297 = tpu.vector_load %arg9[%swap3A_295, %swap3A_296] {strides = array<i32>} : memref<80x160xi32, #tpu.memory_space<vmem>>, vector<16xi32>,
        tpu.vector_store %arg9[%swap3A_295, %swap3A_296], %gather3A_279 {strides = array<i32>} : memref<80x160xi32, #tpu.memory_space<vmem>>, vector<16xi32>,
        %swap3A_298 = arith.index_cast %scan3A_245 : i32 to index
        %swap3A_299 = arith.constant 64 : index
        %swap3A_300 = tpu.vector_load %arg9[%swap3A_298, %swap3A_299] {strides = array<i32>} : memref<80x160xi32, #tpu.memory_space<vmem>>, vector<16xi32>,
        tpu.vector_store %arg9[%swap3A_298, %swap3A_299], %gather3A_280 {strides = array<i32>} : memref<80x160xi32, #tpu.memory_space<vmem>>, vector<16xi32>,
        %swap3A_301 = arith.index_cast %scan3A_245 : i32 to index
        %swap3A_302 = arith.constant 80 : index
        %swap3A_303 = tpu.vector_load %arg9[%swap3A_301, %swap3A_302] {strides = array<i32>} : memref<80x160xi32, #tpu.memory_space<vmem>>, vector<16xi32>,
        tpu.vector_store %arg9[%swap3A_301, %swap3A_302], %gather3A_281 {strides = array<i32>} : memref<80x160xi32, #tpu.memory_space<vmem>>, vector<16xi32>,
        %swap3A_304 = arith.index_cast %scan3A_245 : i32 to index
        %swap3A_305 = arith.constant 96 : index
        %swap3A_306 = tpu.vector_load %arg9[%swap3A_304, %swap3A_305] {strides = array<i32>} : memref<80x160xi32, #tpu.memory_space<vmem>>, vector<16xi32>,
        tpu.vector_store %arg9[%swap3A_304, %swap3A_305], %gather3A_282 {strides = array<i32>} : memref<80x160xi32, #tpu.memory_space<vmem>>, vector<16xi32>,
        %swap3A_307 = arith.index_cast %scan3A_245 : i32 to index
        %swap3A_308 = arith.constant 112 : index
        %swap3A_309 = tpu.vector_load %arg9[%swap3A_307, %swap3A_308] {strides = array<i32>} : memref<80x160xi32, #tpu.memory_space<vmem>>, vector<16xi32>,
        tpu.vector_store %arg9[%swap3A_307, %swap3A_308], %gather3A_283 {strides = array<i32>} : memref<80x160xi32, #tpu.memory_space<vmem>>, vector<16xi32>,
        %swap3A_310 = arith.index_cast %scan3A_245 : i32 to index
        %swap3A_311 = arith.constant 128 : index
        %swap3A_312 = tpu.vector_load %arg9[%swap3A_310, %swap3A_311] {strides = array<i32>} : memref<80x160xi32, #tpu.memory_space<vmem>>, vector<16xi32>,
        tpu.vector_store %arg9[%swap3A_310, %swap3A_311], %gather3A_284 {strides = array<i32>} : memref<80x160xi32, #tpu.memory_space<vmem>>, vector<16xi32>,
        %swap3A_313 = arith.index_cast %scan3A_245 : i32 to index
        %swap3A_314 = arith.constant 144 : index
        %swap3A_315 = tpu.vector_load %arg9[%swap3A_313, %swap3A_314] {strides = array<i32>} : memref<80x160xi32, #tpu.memory_space<vmem>>, vector<16xi32>,
        tpu.vector_store %arg9[%swap3A_313, %swap3A_314], %gather3A_285 {strides = array<i32>} : memref<80x160xi32, #tpu.memory_space<vmem>>, vector<16xi32>,
        %scan3A_316 = arith.constant 0 : i32
        scf.yield %scan3A_316 : i32
      }
      %scan3A_152 = arith.constant 80 : i32
      %shift_right_arithmetic3A_153 = arith.constant 1 : i32
      %shift_right_arithmetic3A_154 = arith.shrsi %add3A_127, %shift_right_arithmetic3A_153 : i32
      %add3A_155 = arith.addi %mul3A_32, %shift_right_arithmetic3A_154 : i32
      %and3A_156 = arith.constant 1 : i32
      %and3A_157 = arith.andi %add3A_127, %and3A_156 : i32
      %mul3A_158 = arith.constant 80 : i32
      %mul3A_159 = arith.muli %and3A_157, %mul3A_158 : i32
      %dma_start3A_160 = arith.constant 0 : i32
      %dma_start3A_161 = tpu.memref_slice %arg4[%select_n3A, %add3A_155, %mul3A_159, %dma_start3A_160] : memref<4x160x160x160xi32, #tpu.memory_space<hbm>> -> memref<1x1x80x160xi32, #tpu.memory_space<hbm>>
      %dma_start3A_162 = tpu.memref_squeeze %dma_start3A_161 : memref<1x1x80x160xi32, #tpu.memory_space<hbm>> -> memref<80x160xi32, #tpu.memory_space<hbm>>
      %dma_start3A_163 = arith.constant 0 : i32
      %dma_start3A_164 = tpu.memref_slice %arg4[%select_n3A, %add3A_155, %mul3A_159, %dma_start3A_163] : memref<4x160x160x160xi32, #tpu.memory_space<hbm>> -> memref<1x1x80x160xi32, #tpu.memory_space<hbm>>
      %dma_start3A_165 = tpu.memref_squeeze %dma_start3A_164 : memref<1x1x80x160xi32, #tpu.memory_space<hbm>> -> memref<80x160xi32, #tpu.memory_space<hbm>>
      tpu.enqueue_dma source(%arg9 : memref<80x160xi32, #tpu.memory_space<vmem>>) target(%dma_start3A_165 : memref<80x160xi32, #tpu.memory_space<hbm>>) target_semaphore(%arg13 : memref<!tpu.dma_semaphore, #tpu.memory_space<semaphore_mem>>)
      %add3A_166 = arith.constant 2 : i32
      %add3A_167 = arith.addi %add3A_127, %add3A_166 : i32
      %lt3A_168 = arith.constant 40 : i32
      %lt3A_169 = arith.cmpi slt, %add3A_167, %lt3A_168 : i32
      %convert_element_type3A_170 = arith.extui %lt3A_169 : i1 to i32
      %cond3A_171 = arith.constant 0 : i32
      %cond3A_172 = arith.cmpi ne, %convert_element_type3A_170, %cond3A_171 : i32
      scf.if %cond3A_172 {
        %add3A_174 = arith.constant 2 : i32
        %add3A_175 = arith.addi %add3A_127, %add3A_174 : i32
        %shift_right_arithmetic3A_176 = arith.constant 1 : i32
        %shift_right_arithmetic3A_177 = arith.shrsi %add3A_175, %shift_right_arithmetic3A_176 : i32
        %add3A_178 = arith.addi %mul3A_32, %shift_right_arithmetic3A_177 : i32
        %and3A_179 = arith.constant 1 : i32
        %and3A_180 = arith.andi %add3A_175, %and3A_179 : i32
        %mul3A_181 = arith.constant 80 : i32
        %mul3A_182 = arith.muli %and3A_180, %mul3A_181 : i32
        %dma_start3A_183 = arith.constant 0 : i32
        %dma_start3A_184 = tpu.memref_slice %arg2[%select_n3A, %add3A_178, %mul3A_182, %dma_start3A_183] : memref<4x160x160x160xi32, #tpu.memory_space<hbm>> -> memref<1x1x80x160xi32, #tpu.memory_space<hbm>>
        %dma_start3A_185 = tpu.memref_squeeze %dma_start3A_184 : memref<1x1x80x160xi32, #tpu.memory_space<hbm>> -> memref<80x160xi32, #tpu.memory_space<hbm>>
        %dma_start3A_186 = arith.constant 0 : i32
        %dma_start3A_187 = tpu.memref_slice %arg2[%select_n3A, %add3A_178, %mul3A_182, %dma_start3A_186] : memref<4x160x160x160xi32, #tpu.memory_space<hbm>> -> memref<1x1x80x160xi32, #tpu.memory_space<hbm>>
        %dma_start3A_188 = tpu.memref_squeeze %dma_start3A_187 : memref<1x1x80x160xi32, #tpu.memory_space<hbm>> -> memref<80x160xi32, #tpu.memory_space<hbm>>
        tpu.enqueue_dma source(%dma_start3A_188 : memref<80x160xi32, #tpu.memory_space<hbm>>) target(%arg7 : memref<80x160xi32, #tpu.memory_space<vmem>>) target_semaphore(%arg11 : memref<!tpu.dma_semaphore, #tpu.memory_space<semaphore_mem>>)
      } else {
      }
      %scan3A_173 = arith.constant 0 : i32
      scf.yield %scan3A_173 : i32
    }
    %scan3A_57 = arith.constant 20 : i32
    %add3A_58 = arith.constant 19 : i32
    %add3A_59 = arith.addi %mul3A_32, %add3A_58 : i32
    %dma_wait3A = arith.constant 0 : i32
    %dma_wait3A_60 = arith.constant 0 : i32
    %dma_wait3A_61 = tpu.memref_slice %arg4[%select_n3A, %add3A_59, %dma_wait3A, %dma_wait3A_60] : memref<4x160x160x160xi32, #tpu.memory_space<hbm>> -> memref<1x1x80x160xi32, #tpu.memory_space<hbm>>
    %dma_wait3A_62 = tpu.memref_squeeze %dma_wait3A_61 : memref<1x1x80x160xi32, #tpu.memory_space<hbm>> -> memref<80x160xi32, #tpu.memory_space<hbm>>
    %dma_wait3A_63 = arith.constant 0 : i32
    %dma_wait3A_64 = arith.constant 0 : i32
    %dma_wait3A_65 = tpu.memref_slice %arg4[%select_n3A, %add3A_59, %dma_wait3A_63, %dma_wait3A_64] : memref<4x160x160x160xi32, #tpu.memory_space<hbm>> -> memref<1x1x80x160xi32, #tpu.memory_space<hbm>>
    %dma_wait3A_66 = tpu.memref_squeeze %dma_wait3A_65 : memref<1x1x80x160xi32, #tpu.memory_space<hbm>> -> memref<80x160xi32, #tpu.memory_space<hbm>>
    tpu.wait_dma2 semaphore(%arg12 : memref<!tpu.dma_semaphore, #tpu.memory_space<semaphore_mem>>) src(%arg8 : memref<80x160xi32, #tpu.memory_space<vmem>>) dst(%dma_wait3A_66 : memref<80x160xi32, #tpu.memory_space<hbm>>)
    %add3A_67 = arith.constant 19 : i32
    %add3A_68 = arith.addi %mul3A_32, %add3A_67 : i32
    %dma_wait3A_69 = arith.constant 80 : i32
    %dma_wait3A_70 = arith.constant 0 : i32
    %dma_wait3A_71 = tpu.memref_slice %arg4[%select_n3A, %add3A_68, %dma_wait3A_69, %dma_wait3A_70] : memref<4x160x160x160xi32, #tpu.memory_space<hbm>> -> memref<1x1x80x160xi32, #tpu.memory_space<hbm>>
    %dma_wait3A_72 = tpu.memref_squeeze %dma_wait3A_71 : memref<1x1x80x160xi32, #tpu.memory_space<hbm>> -> memref<80x160xi32, #tpu.memory_space<hbm>>
    %dma_wait3A_73 = arith.constant 80 : i32
    %dma_wait3A_74 = arith.constant 0 : i32
    %dma_wait3A_75 = tpu.memref_slice %arg4[%select_n3A, %add3A_68, %dma_wait3A_73, %dma_wait3A_74] : memref<4x160x160x160xi32, #tpu.memory_space<hbm>> -> memref<1x1x80x160xi32, #tpu.memory_space<hbm>>
    %dma_wait3A_76 = tpu.memref_squeeze %dma_wait3A_75 : memref<1x1x80x160xi32, #tpu.memory_space<hbm>> -> memref<80x160xi32, #tpu.memory_space<hbm>>
    tpu.wait_dma2 semaphore(%arg13 : memref<!tpu.dma_semaphore, #tpu.memory_space<semaphore_mem>>) src(%arg9 : memref<80x160xi32, #tpu.memory_space<vmem>>) dst(%dma_wait3A_76 : memref<80x160xi32, #tpu.memory_space<hbm>>)
    return
  }
}

</mosaic_0001>

<sc_bundles>
// kernel: kernel.3.cloned.1.call-start
scs
__scs_entry_jumppad:
0x0: {  	(pc) =	sbr.rel $0x88, $3  }
0x1: {  	(tag) =	ssettag $0x0;
	lr =	simm.s32 $0x1  }
0x2: {  	[smem:$0x3F9F] =	sst lr;
	_ =	strace $0xD0000000  }
0x3: {  	_ = 	snop  }
0x4: {  	_ = 	snop  }
0x5: {  	_ = 	snop  }
0x6: {  	_ = 	snop  }
0x7: {  	_ = 	snop  }
__scs_overlays_trampoline_lowered:
0x8: {  	[smem:$0x3FAE] =	sst s0  }
0x9: {  	[smem:$0x3FAF] =	sst s1  }
0xa: {  	[smem:$0x3FB0] =	sst s2  }
0xb: {  	[smem:$0x3FB1] =	sst s3  }
0xc: {  	[smem:$0x3FB2] =	sst s4  }
0xd: {  	[smem:$0x3FB3] =	sst s5  }
0xe: {  	[smem:$0x3FB4] =	sst s6  }
0xf: {  	[smem:$0x3FB5] =	sst s7  }
0x10: {  	[smem:$0x3FB6] =	sst s8  }
0x11: {  	[smem:$0x3FB7] =	sst s9;
	s0 =	simm.s32 @!p0 $0x0  }
0x12: {  	s1 =	sld [smem:$0x3F9D];
	s0 =	simm.s32 @p0 $0x1  }
0x13: {  	[smem:$0x3FB8] =	sst s0;
	s0 =	simm.s32 @!p1 $0x0  }
0x14: {  	s2 =	sld [smem:$0x3F9C];
	s0 =	simm.s32 @p1 $0x1  }
0x15: {  	[smem:$0x3FB9] =	sst s0;
	s0 =	simm.s32 @!p2 $0x0  }
0x16: {  	s3 =	sld [smem:$0x3FDB];
	s0 =	simm.s32 @p2 $0x1  }
0x17: {  	s4 =	simm.s32 $0x1BF5;
	[smem:$0x3FBB] =	sst s0  }
0x18: {  	s0 =	sld [smem:$0x3F9E];
	_ =	swait.ge [sflag:s4], $0x0  }
0x19: {  	s7 =	sld [smem:$0x3F9F]  }
0x1a: {  	s8 =	sadd.s32 $0xFFFFE003, lr  }
0x1b: {  	s9 =	sadd.s32 $0xFFFFFEF7, lr;
	s5 =	simm.s32 $0xFFFFFFFF;
	p2 =	slt.u32 s8, $0xFFFFF086  }
0x1c: {  	p1 =	slt.u32 s9, $0xF7A;
	s5 =	simm.s32 @!p2 $0x0  }
0x1d: {  	s5 =	simm.s32 @p1 $0x1;
	p0 =	seq.s32 s7, s2  }
0x1e: {  	s7 =	smul.u32 @!p0 $0xF7A, s2;
	p2 =	seq.s32 @!p0 s5, $0x0  }
0x1f: {  	s9 =	smul.u32 $0xF7A, s1;
	s8 =	simm.s32 @!p0 $0x1BF5;
	p2 =	por !p2, p0  }
0x20: {  	[sflag:s8] =	ssyncset.s32 @!p0 $0xFFFFF086;
	s6 =	sadd.s32 @!p0 s3, s7;
	s7 =	simm.s32 @!p0 $0x108  }
0x21: {  	s3 =	sadd.s32 s3, s9;
	s6 =	sadd.s32 @!p0 $0x88, s6;
	s7 =	simm.s32 @p2 $0x1082  }
0x22: {  	[simem:s7], [sflag:s8] =	dma.local @!p0 [hbm:s6], $0xF7A  }
0x23: {  	s9 =	sor.u32 $0xD0000000, s2;
	s6 =	simm.s32 $0x108;
	_ =	swait.ge @!p0 [sflag:s8], $0x0  }
0x24: {  	s3 =	sadd.s32 $0x88, s3;
	s6 =	simm.s32 @!p1 $0x1082;
	[sflag:s4] =	ssyncset.s32 $0xFFFFF086  }
0x25: {  	[simem:s6], [sflag:s4] =	dma.local [hbm:s3], $0xF7A  }
0x26: {  	[smem:$0x3F9F] =	sst s1;
	(tag) =	ssettag s2;
	_ =	strace s9  }
0x27: {  	s1 =	sld [smem:$0x3FAF]  }
0x28: {  	s2 =	sld [smem:$0x3FB0]  }
0x29: {  	s4 =	sld [smem:$0x3FB2]  }
0x2a: {  	p0 =	seq.s32 s5, $0x0;
	s5 =	sld [smem:$0x3FB3]  }
0x2b: {  	s6 =	sld [smem:$0x3FB4]  }
0x2c: {  	s7 =	sld [smem:$0x3FB5]  }
0x2d: {  	s3 =	simm.s32 $0x108;
	s8 =	sld [smem:$0x3FB6]  }
0x2e: {  	s3 =	simm.s32 @!p0 $0x1082;
	s9 =	sld [smem:$0x3FB7]  }
0x2f: {  	lr =	sadd.s32 s0, s3;
	s0 =	sld [smem:$0x3FAE]  }
0x30: {  	s3 =	sld [smem:$0x3FB1]  }
0x31: {  	[smem:$0x3FBA] =	sst s10  }
0x32: {  	s10 =	sld [smem:$0x3FB8];
	_ =	sdelay $0x3  }
0x33: {  	p0 =	seq.s32 s10, $0x1;
	s10 =	sld [smem:$0x3FBA];
	_ =	sdelay $0x3  }
0x34: {  	[smem:$0x3FBA] =	sst s10  }
0x35: {  	s10 =	sld [smem:$0x3FB9];
	_ =	sdelay $0x3  }
0x36: {  	p1 =	seq.s32 s10, $0x1;
	s10 =	sld [smem:$0x3FBA];
	_ =	sdelay $0x3  }
0x37: {  	[smem:$0x3FBA] =	sst s10  }
0x38: {  	s10 =	sld [smem:$0x3FBB]  }
0x39: {  	_ = 	snop;
	(pc) =	sbr.ind lr, $3  }
0x3a: {  	_ = 	snop  }
0x3b: {  	_ = 	snop  }
0x3c: {  	p2 =	seq.s32 s10, $0x1;
	s10 =	sld [smem:$0x3FBA]  }
0x3d: {  	_ =	shalt  }
0x3e: {  	_ =	shalt  }
0x3f: {  	_ =	shalt  }
0x40: {  	_ =	shalt  }
0x41: {  	_ =	shalt  }
0x42: {  	_ =	shalt  }
0x43: {  	_ =	shalt  }
0x44: {  	_ =	shalt  }
0x45: {  	_ =	shalt  }
0x46: {  	_ =	shalt  }
0x47: {  	_ =	shalt  }
0x48: {  	_ =	shalt  }
0x49: {  	_ =	shalt  }
0x4a: {  	_ =	shalt  }
0x4b: {  	_ =	shalt  }
0x4c: {  	_ =	shalt  }
0x4d: {  	_ =	shalt  }
0x4e: {  	_ =	shalt  }
0x4f: {  	_ =	shalt  }
0x50: {  	_ =	shalt  }
0x51: {  	_ =	shalt  }
0x52: {  	_ =	shalt  }
0x53: {  	_ =	shalt  }
0x54: {  	_ =	shalt  }
0x55: {  	_ =	shalt  }
0x56: {  	_ =	shalt  }
0x57: {  	_ =	shalt  }
0x58: {  	_ =	shalt  }
0x59: {  	_ =	shalt  }
0x5a: {  	_ =	shalt  }
0x5b: {  	_ =	shalt  }
0x5c: {  	_ =	shalt  }
0x5d: {  	_ =	shalt  }
0x5e: {  	_ =	shalt  }
0x5f: {  	_ =	shalt  }
0x60: {  	_ =	shalt  }
0x61: {  	_ =	shalt  }
0x62: {  	_ =	shalt  }
0x63: {  	_ =	shalt  }
0x64: {  	_ =	shalt  }
0x65: {  	_ =	shalt  }
0x66: {  	_ =	shalt  }
0x67: {  	_ =	shalt  }
0x68: {  	_ =	shalt  }
0x69: {  	_ =	shalt  }
0x6a: {  	_ =	shalt  }
0x6b: {  	_ =	shalt  }
0x6c: {  	_ =	shalt  }
0x6d: {  	_ =	shalt  }
0x6e: {  	_ =	shalt  }
0x6f: {  	_ =	shalt  }
0x70: {  	_ =	shalt  }
0x71: {  	_ =	shalt  }
0x72: {  	_ =	shalt  }
0x73: {  	_ =	shalt  }
0x74: {  	_ =	shalt  }
0x75: {  	_ =	shalt  }
0x76: {  	_ =	shalt  }
0x77: {  	_ =	shalt  }
0x78: {  	_ =	shalt  }
0x79: {  	_ =	shalt  }
0x7a: {  	_ =	shalt  }
0x7b: {  	_ =	shalt  }
0x7c: {  	_ =	shalt  }
0x7d: {  	_ =	shalt  }
0x7e: {  	_ =	shalt  }
0x7f: {  	_ =	shalt  }
0x80: {  	_ =	shalt  }
0x81: {  	_ =	shalt  }
0x82: {  	_ =	shalt  }
0x83: {  	_ =	shalt  }
0x84: {  	_ =	shalt  }
0x85: {  	_ =	shalt  }
0x86: {  	_ =	shalt  }
0x87: {  	_ =	shalt  }
.Lfunc_end0:
.L_simem_size_0:
called_computation_lowered:
.L_overlay_start_0:
0x88: {  	s2 =	sld [smem:$0x3FD9]  }
0x89: {  	s3 =	sld [smem:$0x3FFE];
	_ =	sdelay $0x1  }
0x8a: {  	s1 =	srdreg.scid  }
0x8b: {  	s0 =	sand.u32 $0x1, s1  }
0x8c: {  	s18 =	sshll.u32 s0, $0xA;
	s2 =	sadd.s32 s3, s2  }
0x8d: {  	s2 =	sadd.s32 s2, s18  }
0x8e: {  	[smem:$0x3FC6] =	sst s2  }
0x8f: {  	_ = 	snop  }
0x90: {  	s2 =	sld [smem:$0x3FC9]  }
0x91: {  	s19 =	sld [smem:$0x3FC8]  }
0x92: {  	s4 =	sld [smem:$0x3FD0];
	(tm) =	ssettm $0x1  }
0x93: {  	s5 =	sld [smem:$0x3FFB];
	_ =	sdelay $0x3  }
0x94: {  	_ =	strace s5  }
0x95: {  	s5 =	sld [smem:$0x3FFC];
	_ =	sdelay $0x3  }
0x96: {  	_ =	strace s5  }
0x97: {  	s5 =	sld [smem:$0x3FFD];
	_ =	sdelay $0x3  }
0x98: {  	_ =	strace s5  }
0x99: {  	_ =	strace $0x8FFFFFFF  }
0x9a: {  	s20 =	sld [smem:$0x3FDB];
	_ =	sdelay $0x1  }
0x9b: {  	s6 =	simm.s32 $_scs_section_size  }
0x9c: {  	s7 =	simm.s32 $_size__tile_overlayer_lowered;
	s8 =	simm.s32 $_tile_overlayer_lowered  }
0x9d: {  	s23 =	simm.s32 $0x1BFF;
	s22 =	sshll.u32 s8, $0x1;
	s5 =	sadd.s32 s6, s20  }
0x9e: {  	s9 =	simm.s32 $0x0;
	s21 =	sshll.u32 s7, $0x1;
	s7 =	sadd.s32 s22, s5  }
0x9f: {  	[timem:s9], [sflag:s23] =	dma.local [hbm:s7], s21  }
0xa0: {  	_ =	swait.ge [sflag:s23], s21  }
0xa1: {  	s6 =	ssub.s32 $0x0, s21;
	[sflag:s23] =	ssyncset.done $0x0  }
0xa2: {  	[sflag:s23] =	ssyncadd.s32 s6;
	_ =	sdelay $0x1  }
0xa3: {  	s24 =	simm.s32 $0x1B8B  }
0xa4: {  	_ =	swait.ge [sflag:s24], $0x1  }
0xa5: {  	[sflag:s24] =	ssyncset.done $0x0  }
0xa6: {  	s25 =	simm.s32 $0x1B8E;
	[sflag:s24] =	ssyncadd.s32 $0xFFFFFFFF  }
0xa7: {  	s26 =	simm.s32 $execute0_lowered;
	[smem:$0x3FD2] =	sst s25  }
0xa8: {  	s6 =	sshll.u32 s26, $0x1;
	_ =	strace $0x80000046;
	[dreg:$0x1] =	wrdreg $0xFFFFFFFF  }
0xa9: {  	s28 =	simm.s32 $_size_execute0_lowered;
	s5 =	sadd.s32 s5, s6;
	[dreg:$0x0] =	wrdreg $0x0  }
0xaa: {  	s6 =	sshll.u32 s28, $0x1;
	[dreg:$0x2] =	wrdreg s5  }
0xab: {  	[dreg:$0x3] =	wrdreg s6  }
0xac: {  	[dreg:$0x4] =	wrdreg $0xC0  }
0xad: {  	_ =	task [dreg:s9], $0x5FFFF  }
0xae: {  	[dreg:$0x1] =	wrdreg $0xFFFFFFFF  }
0xaf: {  	[dreg:$0x0] =	wrdreg $0x60  }
0xb0: {  	[dreg:$0x2] =	wrdreg s2  }
0xb1: {  	[dreg:$0x3] =	wrdreg s19  }
0xb2: {  	[dreg:$0x4] =	wrdreg s4  }
0xb3: {  	[dreg:$0x5] =	wrdreg $0x9  }
0xb4: {  	_ =	task.clear_ibuf [dreg:s9], $0x6FFFF;
	_ =	strace $0x90000046  }
0xb5: {  	s29 =	simm.s32 $0x9;
	_ =	strace $0x80000048  }
0xb6: {  	_ =	swait.ge [sflag:s29], $0x1  }
0xb7: {  	[sflag:s29] =	ssyncadd.s32 $0xFFFFFFFF  }
0xb8: {  	_ =	strace $0x90000048  }
0xb9: {  	_ =	sfence  }
0xba: {  	s30 =	sld [smem:$0x0];
	_ =	sdelay $0x2  }
0xbb: {  	s31 =	sshll.u32 s1, $0xD;
	s1 =	sshrl.u32 s1, $0x2  }
0xbc: {  	s3 =	sand.u32 $0x4000, s31;
	s1 =	sadd.s32 s1, s30  }
0xbd: {  	s0 =	sor.u32 s3, s0;
	s1 =	sshll.u32 s1, $0x11  }
0xbe: {  	s0 =	sor.u32 s1, s0  }
0xbf: {  	s0 =	sadd.s32 $0x8F2B, s0  }
0xc0: {  	[sflag:s0] =	ssyncadd.remote.s32 $0x1  }
0xc1: {  	_ =	sfence.sel $0xFFFF  }
0xc2: {  	[dreg:$0x0] =	wrdreg $0xFFFFFFFF;
	(pc) =	sbr.abs _section_cstart, $3  }
0xc3: {  	[dreg:$0x1] =	wrdreg $0xFFFFFFFF  }
0xc4: {  	_ =	task.clear_ibuf [dreg:s9], $0x2FFFF;
	_ =	strace $0x9FFFFFFF  }
0xc5: {  	(tm) =	ssettm $0x7FFFFFFF  }
tec
execute0_lowered:
.L_overlay_start_1:
0x0: {  	(tag) =	ssettag $0x1  }
0x1: {  	s0 =	stileid.u32;
	s1 =	rddreg [dreg:$0x0]  }
0x2: {  	s2 =	srdreg.scid;
	s5 =	rddreg [dreg:$0x2];
	s6 =	simm.s32 $0x0  }
0x3: {  	s13 =	simm.s32 $0x5;
	s14 =	simm.s32 $0x80;
	s15 =	simm.s32 $0x5080  }
0x4: {  	s16 =	simm.s32 $0x1;
	s17 =	simm.s32 $0xA080;
	s18 =	simm.s32 $0x2  }
0x5: {  	s19 =	simm.s32 $0x4;
	s20 =	simm.s32 $0xF080;
	s3 =	sshll.u32 s0, $0x1  }
0x6: {  	s7 =	sand.u32 $0x1, s2;
	s29 =	sshrl.u32 s0, $0x2;
	s4 =	sand.u32 $0x6, s3  }
0x7: {  	s2 =	rddreg [dreg:$0x3];
	s8 =	sor.u32 s7, s4;
	s4 =	smul.u32 $0x640000, s29  }
0x8: {  	s21 =	simm.s32 $0x3;
	[smem:$0x7FF] =	sst s6;
	s9 =	smul.u32 $0xC8000, s8  }
.Ltmp0:
0x9: {  	s22 =	simm.s32 $0x0;
	s3 =	rddreg [dreg:$0x1];
	(pc) =	sbr.rel .LBB2_1-.Ltmp0, $4  }
0xa: {  	s10 =	ssub.s32 $0x2, s7;
	_ =	strace $0x80000047;
	s9 =	sadd.s32 s4, s9  }
0xb: {  	s31 =	sshrl.u32 s10, $0x1;
	s7 =	smul.u32 $0x14, s8;
	s30 =	sshrl.u32 s9, $0x3  }
0xc: {  	s12 =	ssub.s32 s10, s31;
	s11 =	sor.u32 $0x5000, s4;
	s8 =	sadd.s32 s1, s30  }
0xd: {  	s12 =	smax.u32 s12, $0x1;
	s10 =	sor.u32 $0x1, s7;
	s9 =	sadd.s32 $0xA00, s8  }
.LBB2_12:
0xe: {  	s22 =	sadd.s32 $0x1, s22  }
0xf: {  	_ =	swait.ge [sflag:s21], $0x5000;
	p0 =	sne.s32 s22, s12  }
.Ltmp1:
0x10: {  	[sflag:s21] =	ssyncset.done $0x0;
	(pc) =	sbr.rel @!p0 .LBB2_13-.Ltmp1, $4  }
0x11: {  	[sflag:s21] =	ssyncadd.s32 $0xFFFFB000  }
0x12: {  	_ =	swait.ge [sflag:s19], $0x5000  }
0x13: {  	[sflag:s19] =	ssyncset.done $0x0  }
0x14: {  	[sflag:s19] =	ssyncadd.s32 $0xFFFFB000  }
.LBB2_1:
0x15: {  	[tilespmem:s6], [sflag:$0x5] =	stream.linear.gather [hbm4b:s3+s6], $0x80, $0x38;
	[tilespmem:$0x14080] =	vst v63  }
0x16: {  	_ =	swait.ge [sflag:s13], $0x80  }
0x17: {  	[sflag:s13] =	ssyncset.done $0x0  }
0x18: {  	[sflag:s13] =	ssyncadd.s32 $0xFFFFFF80  }
0x19: {  	[tilespmem:s14], [sflag:$0x1] =	stream.linear.gather [hbm4b:s8+s6], $0x5000, $0x38;
	[tilespmem:$0x14080] =	vst v63  }
0x1a: {  	s23 =	simm.s32 $0x0  }
0x1b: {  	[tilespmem:s15], [sflag:$0x2] =	stream.linear.gather [hbm4b:s9+s6], $0x5000, $0x38;
	[tilespmem:$0x14080] =	vst v63  }
.LBB2_2:
0x1c: {  	_ =	swait.ge [sflag:s16], $0x5000  }
0x1d: {  	p0 =	seq.s32 s23, $0x0;
	[sflag:s16] =	ssyncset.done $0x0  }
0x1e: {  	s24 =	simm.s32 @!p0 $0x3;
	[sflag:s16] =	ssyncadd.s32 $0xFFFFB000  }
0x1f: {  	s25 =	simm.s32 $0x0;
	_ =	swait.ge @!p0 [sflag:s24], $0x5000  }
0x20: {  	s26 =	sand.u32 $0x7800, s25;
	s25 =	sand.u32 $0x300, s25;
	[sflag:s24] =	ssyncset.done @!p0 $0x0  }
0x21: {  	[sflag:s24] =	ssyncadd.s32 @!p0 $0xFFFFB000;
	s24 =	sor.u32 s25, s26  }
0x22: {  	v0 =	vld [tilespmem:s24+$0x480]  }
0x23: {  	v1 =	vld [tilespmem:s24+$0xF0]  }
0x24: {  	v2 =	vld [tilespmem:s24+$0xE0]  }
0x25: {  	v3 =	vld [tilespmem:s24+$0xD0]  }
0x26: {  	v4 =	vld [tilespmem:s24+$0xC0]  }
0x27: {  	v5 =	vld [tilespmem:s24+$0xB0]  }
0x28: {  	v6 =	vld [tilespmem:s24+$0xA0]  }
0x29: {  	v7 =	vld [tilespmem:s24+$0x90]  }
0x2a: {  	v8 =	vld [tilespmem:s24+$0x80]  }
0x2b: {  	v9 =	vld [tilespmem:s24+$0x490]  }
0x2c: {  	v11 =	vld [tilespmem:s24+$0x140]  }
0x2d: {  	v0 =	vld.idx.msk [tilespmem:v0+s6+$0x0], $0xffff  }
0x2e: {  	v2 =	vld.idx.msk [tilespmem:v2+s6+$0x0], $0xffff  }
0x2f: {  	v4 =	vld.idx.msk [tilespmem:v4+s6+$0x0], $0xffff  }
0x30: {  	v5 =	vld.idx.msk [tilespmem:v5+s6+$0x0], $0xffff  }
0x31: {  	v6 =	vld.idx.msk [tilespmem:v6+s6+$0x0], $0xffff  }
0x32: {  	v7 =	vld.idx.msk [tilespmem:v7+s6+$0x0], $0xffff  }
0x33: {  	v10 =	vld.idx.msk [tilespmem:v1+s6+$0x0], $0xffff  }
0x34: {  	v8 =	vld.idx.msk [tilespmem:v8+s6+$0x0], $0xffff  }
0x35: {  	v3 =	vld.idx.msk [tilespmem:v3+s6+$0x0], $0xffff  }
0x36: {  	v9 =	vld.idx.msk [tilespmem:v9+s6+$0x0], $0xffff;
	[tilespmem:s24+$0xA480] =	vst v0  }
0x37: {  	v12 =	vld [tilespmem:s24+$0x150];
	[tilespmem:s24+$0xA0E0] =	vst v2  }
0x38: {  	v13 =	vld [tilespmem:s24+$0x160];
	[tilespmem:s24+$0xA0C0] =	vst v4  }
0x39: {  	v14 =	vld [tilespmem:s24+$0x170];
	[tilespmem:s24+$0xA0A0] =	vst v6  }
0x3a: {  	v2 =	vld [tilespmem:s24+$0x100];
	[tilespmem:s24+$0xA090] =	vst v7  }
0x3b: {  	v4 =	vld [tilespmem:s24+$0x110];
	[tilespmem:s24+$0xA0F0] =	vst v10  }
0x3c: {  	v6 =	vld [tilespmem:s24+$0x120];
	[tilespmem:s24+$0xA080] =	vst v8  }
0x3d: {  	v10 =	vld [tilespmem:s24+$0x130];
	[tilespmem:s24+$0xA0D0] =	vst v3  }
0x3e: {  	v1 =	vld [tilespmem:s24+$0x500];
	[tilespmem:s24+$0xA490] =	vst v9  }
0x3f: {  	v0 =	vld [tilespmem:s24+$0x510];
	[tilespmem:s24+$0xA0B0] =	vst v5  }
0x40: {  	v3 =	vld.idx.msk [tilespmem:v11+s6+$0x0], $0xffff  }
0x41: {  	v9 =	vld.idx.msk [tilespmem:v12+s6+$0x0], $0xffff  }
0x42: {  	v8 =	vld.idx.msk [tilespmem:v2+s6+$0x0], $0xffff  }
0x43: {  	v7 =	vld.idx.msk [tilespmem:v4+s6+$0x0], $0xffff  }
0x44: {  	v5 =	vld.idx.msk [tilespmem:v6+s6+$0x0], $0xffff  }
0x45: {  	v4 =	vld.idx.msk [tilespmem:v10+s6+$0x0], $0xffff  }
0x46: {  	s28 =	simm.s32 $0x100;
	v2 =	vld.idx.msk [tilespmem:v13+s6+$0x0], $0xffff  }
0x47: {  	s29 =	simm.s32 $0x200;
	s25 =	sadd.s32 s7, s23;
	s26 =	simm.s32 $0x0;
	v6 =	vld.idx.msk [tilespmem:v14+s6+$0x0], $0xffff  }
.LBB2_3:
0x48: {  	s30 =	sand.u32 $0x7800, s29;
	s31 =	sand.u32 $0x300, s28;
	s26 =	sadd.s32 $0x2, s26;
	v1 =	vld.idx.msk [tilespmem:v1+s6+$0x0], $0xffff  }
0x49: {  	s30 =	sor.u32 s31, s30;
	p1 =	slt.u32 s26, $0x4E;
	v0 =	vld.idx.msk [tilespmem:v0+s6+$0x0], $0xffff  }
0x4a: {  	v10 =	vld [tilespmem:s30+$0x480];
	[tilespmem:s24+$0xA100] =	vst v8  }
0x4b: {  	v8 =	vld [tilespmem:s30+$0xF0];
	[tilespmem:s24+$0xA150] =	vst v9  }
0x4c: {  	v9 =	vld [tilespmem:s30+$0xE0];
	[tilespmem:s24+$0xA110] =	vst v7  }
0x4d: {  	v7 =	vld [tilespmem:s30+$0xD0];
	[tilespmem:s24+$0xA120] =	vst v5  }
0x4e: {  	v5 =	vld [tilespmem:s30+$0xC0];
	[tilespmem:s24+$0xA130] =	vst v4  }
0x4f: {  	v4 =	vld [tilespmem:s30+$0xB0];
	[tilespmem:s24+$0xA510] =	vst v0  }
0x50: {  	v0 =	vld [tilespmem:s30+$0xA0];
	[tilespmem:s24+$0xA140] =	vst v3  }
0x51: {  	v3 =	vld [tilespmem:s30+$0x90];
	[tilespmem:s24+$0xA170] =	vst v6  }
0x52: {  	v6 =	vld [tilespmem:s30+$0x80];
	[tilespmem:s24+$0xA160] =	vst v2  }
0x53: {  	v2 =	vld [tilespmem:s30+$0x490];
	[tilespmem:s24+$0xA500] =	vst v1;
	s24 =	smov.u32 s30  }
0x54: {  	v1 =	vld.idx.msk [tilespmem:v10+s6+$0x0], $0xffff  }
0x55: {  	v9 =	vld.idx.msk [tilespmem:v9+s6+$0x0], $0xffff  }
0x56: {  	v5 =	vld.idx.msk [tilespmem:v5+s6+$0x0], $0xffff  }
0x57: {  	v4 =	vld.idx.msk [tilespmem:v4+s6+$0x0], $0xffff  }
0x58: {  	v10 =	vld.idx.msk [tilespmem:v0+s6+$0x0], $0xffff  }
0x59: {  	v3 =	vld.idx.msk [tilespmem:v3+s6+$0x0], $0xffff  }
0x5a: {  	v8 =	vld.idx.msk [tilespmem:v8+s6+$0x0], $0xffff  }
0x5b: {  	v6 =	vld.idx.msk [tilespmem:v6+s6+$0x0], $0xffff  }
0x5c: {  	v7 =	vld.idx.msk [tilespmem:v7+s6+$0x0], $0xffff  }
0x5d: {  	v2 =	vld.idx.msk [tilespmem:v2+s6+$0x0], $0xffff  }
0x5e: {  	[tilespmem:s24+$0xA480] =	vst v1;
	v0 =	vld [tilespmem:s24+$0x510]  }
0x5f: {  	[tilespmem:s24+$0xA0E0] =	vst v9;
	v1 =	vld [tilespmem:s24+$0x500]  }
0x60: {  	[tilespmem:s24+$0xA0C0] =	vst v5;
	v5 =	vld [tilespmem:s24+$0x100]  }
0x61: {  	[tilespmem:s24+$0xA0A0] =	vst v10;
	v9 =	vld [tilespmem:s24+$0x110]  }
0x62: {  	[tilespmem:s24+$0xA090] =	vst v3;
	v3 =	vld [tilespmem:s24+$0x120]  }
0x63: {  	[tilespmem:s24+$0xA0F0] =	vst v8;
	v10 =	vld [tilespmem:s24+$0x130]  }
0x64: {  	[tilespmem:s24+$0xA080] =	vst v6;
	v6 =	vld [tilespmem:s24+$0x140]  }
0x65: {  	[tilespmem:s24+$0xA0D0] =	vst v7;
	v11 =	vld [tilespmem:s24+$0x150]  }
0x66: {  	[tilespmem:s24+$0xA490] =	vst v2;
	v2 =	vld [tilespmem:s24+$0x160]  }
0x67: {  	[tilespmem:s24+$0xA0B0] =	vst v4;
	v12 =	vld [tilespmem:s24+$0x170]  }
0x68: {  	v8 =	vld.idx.msk [tilespmem:v5+s6+$0x0], $0xffff  }
0x69: {  	v7 =	vld.idx.msk [tilespmem:v9+s6+$0x0], $0xffff  }
0x6a: {  	v5 =	vld.idx.msk [tilespmem:v3+s6+$0x0], $0xffff  }
.Ltmp2:
0x6b: {  	v4 =	vld.idx.msk [tilespmem:v10+s6+$0x0], $0xffff;
	(pc) =	sbr.rel @p1 .LBB2_3-.Ltmp2, $4  }
0x6c: {  	v3 =	vld.idx.msk [tilespmem:v6+s6+$0x0], $0xffff  }
0x6d: {  	v9 =	vld.idx.msk [tilespmem:v11+s6+$0x0], $0xffff  }
0x6e: {  	v2 =	vld.idx.msk [tilespmem:v2+s6+$0x0], $0xffff  }
0x6f: {  	s28 =	sadd.s32 $0x100, s28;
	s29 =	sadd.s32 $0x200, s29;
	v6 =	vld.idx.msk [tilespmem:v12+s6+$0x0], $0xffff  }
0x70: {  	_ =	sdelay $0x3  }
0x71: {  	v1 =	vld.idx.msk [tilespmem:v1+s6+$0x0], $0xffff  }
0x72: {  	v0 =	vld.idx.msk [tilespmem:v0+s6+$0x0], $0xffff;
	[tilespmem:s24+$0xA100] =	vst v8  }
0x73: {  	[tilespmem:s24+$0xA110] =	vst v7  }
0x74: {  	[tilespmem:s24+$0xA120] =	vst v5  }
0x75: {  	[tilespmem:s24+$0xA130] =	vst v4  }
0x76: {  	[tilespmem:s24+$0xA140] =	vst v3  }
0x77: {  	s25 =	smul.u32 $0xA000, s25;
	p1 =	sne.s32 s23, $0x13;
	[tilespmem:s24+$0xA150] =	vst v9  }
.Ltmp3:
0x78: {  	[tilespmem:s24+$0xA160] =	vst v2;
	(pc) =	sbr.rel @p1 .LBB2_6-.Ltmp3, $4  }
0x79: {  	s25 =	sadd.s32 s4, s25;
	[tilespmem:s24+$0xA170] =	vst v6  }
0x7a: {  	s25 =	sshrl.u32 s25, $0x3;
	[tilespmem:s24+$0xA510] =	vst v0  }
0x7b: {  	[tilespmem:s24+$0xA500] =	vst v1;
	s24 =	sadd.s32 s5, s25  }
0x7c: {  	[hbm4b:s24+s6] =	stream.linear.scatter [tilespmem:s17], [sflag:$0x3], $0x5000, $0x38;
	[tilespmem:$0x14080] =	vst v63  }
.Ltmp4:
0x7d: {  	(pc) =	sbr.rel .LBB2_7-.Ltmp4, $4  }
0x7e: {  	_ = 	snop  }
0x7f: {  	_ =	swait.ge [sflag:s18], $0x5000  }
0x80: {  	[sflag:s18] =	ssyncset.done $0x0  }
0x81: {  	[sflag:s18] =	ssyncadd.s32 $0xFFFFB000  }
.LBB2_6:
0x82: {  	s25 =	sadd.s32 s23, s10  }
0x83: {  	s25 =	smul.u32 $0xA000, s25;
	_ =	sdelay $0x1  }
0x84: {  	s25 =	sadd.s32 s4, s25  }
0x85: {  	s25 =	sshrl.u32 s25, $0x3  }
.Ltmp5:
0x86: {  	s25 =	sadd.s32 s1, s25;
	(pc) =	sbr.rel @p0 .LBB2_8-.Ltmp5, $4  }
0x87: {  	[tilespmem:s14], [sflag:$0x1] =	stream.linear.gather [hbm4b:s25+s6], $0x5000, $0x38;
	[tilespmem:$0x14080] =	vst v63  }
0x88: {  	_ =	swait.ge [sflag:s18], $0x5000  }
0x89: {  	[sflag:s18] =	ssyncset.done $0x0  }
0x8a: {  	[sflag:s18] =	ssyncadd.s32 $0xFFFFB000  }
.LBB2_7:
0x8b: {  	_ =	swait.ge [sflag:s19], $0x5000  }
0x8c: {  	[sflag:s19] =	ssyncset.done $0x0  }
0x8d: {  	[sflag:s19] =	ssyncadd.s32 $0xFFFFB000  }
.LBB2_8:
0x8e: {  	s25 =	simm.s32 $0x0  }
0x8f: {  	s26 =	sand.u32 $0x7800, s25;
	s25 =	sand.u32 $0x300, s25  }
0x90: {  	s25 =	sor.u32 s25, s26  }
0x91: {  	v0 =	vld [tilespmem:s25+$0x5480]  }
0x92: {  	v1 =	vld [tilespmem:s25+$0x50F0]  }
0x93: {  	v2 =	vld [tilespmem:s25+$0x50E0]  }
0x94: {  	v3 =	vld [tilespmem:s25+$0x50D0]  }
0x95: {  	v4 =	vld [tilespmem:s25+$0x50C0]  }
0x96: {  	v5 =	vld [tilespmem:s25+$0x50B0]  }
0x97: {  	v6 =	vld [tilespmem:s25+$0x50A0]  }
0x98: {  	v7 =	vld [tilespmem:s25+$0x5090]  }
0x99: {  	v8 =	vld [tilespmem:s25+$0x5080]  }
0x9a: {  	v9 =	vld [tilespmem:s25+$0x5490]  }
0x9b: {  	v11 =	vld [tilespmem:s25+$0x5140]  }
0x9c: {  	v0 =	vld.idx.msk [tilespmem:v0+s6+$0x0], $0xffff  }
0x9d: {  	v2 =	vld.idx.msk [tilespmem:v2+s6+$0x0], $0xffff  }
0x9e: {  	v4 =	vld.idx.msk [tilespmem:v4+s6+$0x0], $0xffff  }
0x9f: {  	v5 =	vld.idx.msk [tilespmem:v5+s6+$0x0], $0xffff  }
0xa0: {  	v6 =	vld.idx.msk [tilespmem:v6+s6+$0x0], $0xffff  }
0xa1: {  	v7 =	vld.idx.msk [tilespmem:v7+s6+$0x0], $0xffff  }
0xa2: {  	v10 =	vld.idx.msk [tilespmem:v1+s6+$0x0], $0xffff  }
0xa3: {  	v8 =	vld.idx.msk [tilespmem:v8+s6+$0x0], $0xffff  }
0xa4: {  	v3 =	vld.idx.msk [tilespmem:v3+s6+$0x0], $0xffff  }
0xa5: {  	v9 =	vld.idx.msk [tilespmem:v9+s6+$0x0], $0xffff;
	[tilespmem:s25+$0xF480] =	vst v0  }
0xa6: {  	v12 =	vld [tilespmem:s25+$0x5150];
	[tilespmem:s25+$0xF0E0] =	vst v2  }
0xa7: {  	v13 =	vld [tilespmem:s25+$0x5160];
	[tilespmem:s25+$0xF0C0] =	vst v4  }
0xa8: {  	v14 =	vld [tilespmem:s25+$0x5170];
	[tilespmem:s25+$0xF0A0] =	vst v6  }
0xa9: {  	v2 =	vld [tilespmem:s25+$0x5100];
	[tilespmem:s25+$0xF090] =	vst v7  }
0xaa: {  	v4 =	vld [tilespmem:s25+$0x5110];
	[tilespmem:s25+$0xF0F0] =	vst v10  }
0xab: {  	v6 =	vld [tilespmem:s25+$0x5120];
	[tilespmem:s25+$0xF080] =	vst v8  }
0xac: {  	v10 =	vld [tilespmem:s25+$0x5130];
	[tilespmem:s25+$0xF0D0] =	vst v3  }
0xad: {  	v1 =	vld [tilespmem:s25+$0x5500];
	[tilespmem:s25+$0xF490] =	vst v9  }
0xae: {  	v0 =	vld [tilespmem:s25+$0x5510];
	[tilespmem:s25+$0xF0B0] =	vst v5  }
0xaf: {  	v3 =	vld.idx.msk [tilespmem:v11+s6+$0x0], $0xffff  }
0xb0: {  	v9 =	vld.idx.msk [tilespmem:v12+s6+$0x0], $0xffff  }
0xb1: {  	v8 =	vld.idx.msk [tilespmem:v2+s6+$0x0], $0xffff  }
0xb2: {  	v7 =	vld.idx.msk [tilespmem:v4+s6+$0x0], $0xffff  }
0xb3: {  	v5 =	vld.idx.msk [tilespmem:v6+s6+$0x0], $0xffff  }
0xb4: {  	v4 =	vld.idx.msk [tilespmem:v10+s6+$0x0], $0xffff  }
0xb5: {  	v2 =	vld.idx.msk [tilespmem:v13+s6+$0x0], $0xffff  }
0xb6: {  	s28 =	simm.s32 $0x100;
	s29 =	simm.s32 $0x200;
	s26 =	simm.s32 $0x0;
	v6 =	vld.idx.msk [tilespmem:v14+s6+$0x0], $0xffff  }
.LBB2_9:
0xb7: {  	s30 =	sand.u32 $0x7800, s29;
	s31 =	sand.u32 $0x300, s28;
	s26 =	sadd.s32 $0x2, s26;
	v1 =	vld.idx.msk [tilespmem:v1+s6+$0x0], $0xffff  }
0xb8: {  	s30 =	sor.u32 s31, s30;
	p0 =	slt.u32 s26, $0x4E;
	v0 =	vld.idx.msk [tilespmem:v0+s6+$0x0], $0xffff  }
0xb9: {  	v10 =	vld [tilespmem:s30+$0x5480];
	[tilespmem:s25+$0xF100] =	vst v8  }
0xba: {  	v8 =	vld [tilespmem:s30+$0x50F0];
	[tilespmem:s25+$0xF150] =	vst v9  }
0xbb: {  	v9 =	vld [tilespmem:s30+$0x50E0];
	[tilespmem:s25+$0xF110] =	vst v7  }
0xbc: {  	v7 =	vld [tilespmem:s30+$0x50D0];
	[tilespmem:s25+$0xF120] =	vst v5  }
0xbd: {  	v5 =	vld [tilespmem:s30+$0x50C0];
	[tilespmem:s25+$0xF130] =	vst v4  }
0xbe: {  	v4 =	vld [tilespmem:s30+$0x50B0];
	[tilespmem:s25+$0xF510] =	vst v0  }
0xbf: {  	v0 =	vld [tilespmem:s30+$0x50A0];
	[tilespmem:s25+$0xF140] =	vst v3  }
0xc0: {  	v3 =	vld [tilespmem:s30+$0x5090];
	[tilespmem:s25+$0xF170] =	vst v6  }
0xc1: {  	v6 =	vld [tilespmem:s30+$0x5080];
	[tilespmem:s25+$0xF160] =	vst v2  }
0xc2: {  	v2 =	vld [tilespmem:s30+$0x5490];
	[tilespmem:s25+$0xF500] =	vst v1;
	s25 =	smov.u32 s30  }
0xc3: {  	v1 =	vld.idx.msk [tilespmem:v10+s6+$0x0], $0xffff  }
0xc4: {  	v9 =	vld.idx.msk [tilespmem:v9+s6+$0x0], $0xffff  }
0xc5: {  	v5 =	vld.idx.msk [tilespmem:v5+s6+$0x0], $0xffff  }
0xc6: {  	v4 =	vld.idx.msk [tilespmem:v4+s6+$0x0], $0xffff  }
0xc7: {  	v10 =	vld.idx.msk [tilespmem:v0+s6+$0x0], $0xffff  }
0xc8: {  	v3 =	vld.idx.msk [tilespmem:v3+s6+$0x0], $0xffff  }
0xc9: {  	v8 =	vld.idx.msk [tilespmem:v8+s6+$0x0], $0xffff  }
0xca: {  	v6 =	vld.idx.msk [tilespmem:v6+s6+$0x0], $0xffff  }
0xcb: {  	v7 =	vld.idx.msk [tilespmem:v7+s6+$0x0], $0xffff  }
0xcc: {  	v2 =	vld.idx.msk [tilespmem:v2+s6+$0x0], $0xffff  }
0xcd: {  	[tilespmem:s25+$0xF480] =	vst v1;
	v0 =	vld [tilespmem:s25+$0x5510]  }
0xce: {  	[tilespmem:s25+$0xF0E0] =	vst v9;
	v1 =	vld [tilespmem:s25+$0x5500]  }
0xcf: {  	[tilespmem:s25+$0xF0C0] =	vst v5;
	v5 =	vld [tilespmem:s25+$0x5100]  }
0xd0: {  	[tilespmem:s25+$0xF0A0] =	vst v10;
	v9 =	vld [tilespmem:s25+$0x5110]  }
0xd1: {  	[tilespmem:s25+$0xF090] =	vst v3;
	v3 =	vld [tilespmem:s25+$0x5120]  }
0xd2: {  	[tilespmem:s25+$0xF0F0] =	vst v8;
	v10 =	vld [tilespmem:s25+$0x5130]  }
0xd3: {  	[tilespmem:s25+$0xF080] =	vst v6;
	v6 =	vld [tilespmem:s25+$0x5140]  }
0xd4: {  	[tilespmem:s25+$0xF0D0] =	vst v7;
	v11 =	vld [tilespmem:s25+$0x5150]  }
0xd5: {  	[tilespmem:s25+$0xF490] =	vst v2;
	v2 =	vld [tilespmem:s25+$0x5160]  }
0xd6: {  	[tilespmem:s25+$0xF0B0] =	vst v4;
	v12 =	vld [tilespmem:s25+$0x5170]  }
0xd7: {  	v8 =	vld.idx.msk [tilespmem:v5+s6+$0x0], $0xffff  }
0xd8: {  	v7 =	vld.idx.msk [tilespmem:v9+s6+$0x0], $0xffff  }
0xd9: {  	v5 =	vld.idx.msk [tilespmem:v3+s6+$0x0], $0xffff  }
.Ltmp6:
0xda: {  	v4 =	vld.idx.msk [tilespmem:v10+s6+$0x0], $0xffff;
	(pc) =	sbr.rel @p0 .LBB2_9-.Ltmp6, $4  }
0xdb: {  	v3 =	vld.idx.msk [tilespmem:v6+s6+$0x0], $0xffff  }
0xdc: {  	v9 =	vld.idx.msk [tilespmem:v11+s6+$0x0], $0xffff  }
0xdd: {  	v2 =	vld.idx.msk [tilespmem:v2+s6+$0x0], $0xffff  }
0xde: {  	s28 =	sadd.s32 $0x100, s28;
	s29 =	sadd.s32 $0x200, s29;
	v6 =	vld.idx.msk [tilespmem:v12+s6+$0x0], $0xffff  }
0xdf: {  	_ =	sdelay $0x3  }
0xe0: {  	v1 =	vld.idx.msk [tilespmem:v1+s6+$0x0], $0xffff  }
0xe1: {  	v0 =	vld.idx.msk [tilespmem:v0+s6+$0x0], $0xffff;
	[tilespmem:s25+$0xF100] =	vst v8  }
0xe2: {  	[tilespmem:s25+$0xF110] =	vst v7  }
0xe3: {  	[tilespmem:s25+$0xF120] =	vst v5  }
0xe4: {  	[tilespmem:s25+$0xF130] =	vst v4  }
0xe5: {  	[tilespmem:s25+$0xF140] =	vst v3  }
0xe6: {  	p0 =	seq.s32 s23, $0x13;
	[tilespmem:s25+$0xF150] =	vst v9  }
.Ltmp7:
0xe7: {  	[tilespmem:s25+$0xF160] =	vst v2;
	(pc) =	sbr.rel @p0 .LBB2_12-.Ltmp7, $4  }
0xe8: {  	[tilespmem:s25+$0xF170] =	vst v6  }
0xe9: {  	[tilespmem:s25+$0xF510] =	vst v0  }
0xea: {  	s24 =	sadd.s32 $0xA00, s24;
	[tilespmem:s25+$0xF500] =	vst v1  }
0xeb: {  	[hbm4b:s24+s6] =	stream.linear.scatter [tilespmem:s20], [sflag:$0x4], $0x5000, $0x38;
	[tilespmem:$0x14080] =	vst v63  }
0xec: {  	s24 =	sadd.s32 s23, s10  }
0xed: {  	s24 =	smul.u32 $0xA000, s24  }
.Ltmp8:
0xee: {  	_ = 	snop;
	(pc) =	sbr.rel .LBB2_2-.Ltmp8, $4  }
0xef: {  	s24 =	sadd.s32 s24, s11  }
0xf0: {  	s24 =	sshrl.u32 s24, $0x3  }
0xf1: {  	s23 =	sadd.s32 $0x1, s23;
	s24 =	sadd.s32 s1, s24  }
0xf2: {  	[tilespmem:s15], [sflag:$0x2] =	stream.linear.gather [hbm4b:s24+s6], $0x5000, $0x38;
	[tilespmem:$0x14080] =	vst v63  }
.LBB2_13:
0xf3: {  	_ =	sfence.sel $0x180000  }
0xf4: {  	[bflag:$0x0] =	sbarrier.arrive $0xFFFF  }
0xf5: {  	p0 =	sne.s32 s0, $0x0;
	_ =	strace $0x90000047  }
0xf6: {  	s0 =	sadd.s32 @!p0 $0x100000, s2;
	[bflag:$0x2] =	sbarrier.arrive $0xFFFF  }
0xf7: {  	[sflag:s0] =	ssyncadd.tile.s32 @!p0 $0x1;
	_ =	shalt  }
.Lfunc_end2:
_tile_overlayer_lowered:
.L_overlay_start_2:
0xf8: {  	(tag) =	ssettag $0x2  }
0xf9: {  	s0 =	rddreg [dreg:$0x0];
	s2 =	stileid.u32  }
0xfa: {  	s1 =	rddreg [dreg:$0x1];
	p0 =	sne.s32 s2, $0x0  }
0xfb: {  	s3 =	rddreg [dreg:$0x2];
	[bflag:$0x3] =	sbarrier.arrive $0xFFFF;
	s2 =	simm.s32 @!p0 $0x1C05  }
0xfc: {  	[timem:s3], [sflag:s2] =	dma.local @!p0 [hbm:s0], s1  }
0xfd: {  	s0 =	simm.s32 @!p0 $0x5  }
0xfe: {  	_ =	swait.ge @!p0 [sflag:s0], s1  }
0xff: {  	s1 =	ssub.s32 @!p0 $0x0, s1;
	[sflag:s0] =	ssyncset.done @!p0 $0x0  }
0x100: {  	[sflag:s0] =	ssyncadd.s32 @!p0 s1  }
0x101: {  	[bflag:$0x3] =	sbarrier.arrive $0xFFFF  }
0x102: {  	_ =	shalt  }

</sc_bundles>
